<compile_context>
chip_gen: v7x
topology: tpu7x:2x2x1
jax: 0.10.2.dev20260603
libtpu: 0.0.44.dev20260713+nightly
codegen_flags: <defaults>
</compile_context>

<pallas_src>
import functools

import jax
import jax.numpy as jnp
from jax import lax
from jax.experimental import pallas as pl
from jax.experimental.pallas import tpu as pltpu
from jax.experimental.pallas import tpu_sc as plsc

_NC, _NS = 2, 16
_NW = _NC * _NS


def _gather_kernel(R, S, V, D, rows_per_w, G):
    n2 = rows_per_w // (2 * G)
    mesh = plsc.VectorSubcoreMesh(core_axis_name="c", subcore_axis_name="s")

    @functools.partial(
        pl.kernel,
        mesh=mesh,
        out_type=jax.ShapeDtypeStruct((R, S, D), jnp.float32),
        scratch_types=[
            pltpu.VMEM((rows_per_w, S), jnp.int32),
            pltpu.VMEM((G, S, 2 * D), jnp.float32),
            pltpu.VMEM((G, S, 2 * D), jnp.float32),
            pltpu.SemaphoreType.DMA,
            pltpu.SemaphoreType.DMA,
        ],
        compiler_params=pltpu.CompilerParams(use_tc_tiling_on_sc=False),
    )
    def k(idx_hbm, table_hbm, out_hbm, ibuf, bufa, bufb, sem_g, sem_w):
        wid = lax.axis_index("s") * _NC + lax.axis_index("c")
        base = wid * rows_per_w

        pltpu.sync_copy(idx_hbm.at[pl.ds(base, rows_per_w)], ibuf)

        def gathers(l0, buf):
            copies = [
                pltpu.async_copy(table_hbm.at[ibuf.at[l0 + j]], buf.at[j], sem_g)
                for j in range(G)
            ]
            for c in copies:
                c.wait()

        def write(buf, r0):
            return pltpu.async_copy(
                buf.at[pl.ds(0, G), pl.ds(0, S), pl.ds(0, D)],
                out_hbm.at[pl.ds(r0, G)],
                sem_w,
            )

        def body(k2, carry):
            l0 = k2 * (2 * G)
            gathers(l0, bufa)
            wa = write(bufa, base + l0)
            gathers(l0 + G, bufb)
            wb = write(bufb, base + l0 + G)
            wa.wait()
            wb.wait()
            return carry

        lax.fori_loop(0, n2, body, 0)

    return k


def kernel(input, weight):
    R, S = input.shape
    V, D = weight.shape
    rows_per_w = R // _NW
    G = 8

    idx = input.astype(jnp.int32)
    wide = jax.lax.dot(
        weight,
        jnp.eye(D, 2 * D, dtype=jnp.float32),
        precision=jax.lax.Precision.DEFAULT,
    )
    return _gather_kernel(R, S, V, D, rows_per_w, G)(idx, wide)

# --- scband reference (transcript-rebuilt; emitter-appended) ---
"""Pipeline reference for scband-embedding-32195074851535 (READ-ONLY COPY).

The authoritative reference and input builder live on the scoring server;
editing this copy changes nothing except your own understanding.
"""

import jax, jax.numpy as jnp
import numpy as np
import math

NUM_EMBEDDINGS = 1000000
EMBEDDING_DIM = 64

def setup_inputs(seed: int = 0) -> dict:
    key = jax.random.key(seed)
    k_idx, k_w = jax.random.split(key)
    input = jax.random.randint(k_idx, (4096, 50), 0, NUM_EMBEDDINGS, dtype=jnp.int64 if jax.config.jax_enable_x64 else jnp.int32)
    weight = jax.random.normal(k_w, (NUM_EMBEDDINGS, EMBEDDING_DIM), dtype=jnp.float32) * (1.0 / math.sqrt(EMBEDDING_DIM))
    return {"input": input, "weight": weight}

def reference(input, weight):
    # Faithful translation of the custom embedding forward:
    # padding_idx=None, max_norm=None, so it's a plain gather.
    output = jnp.take(weight, input, axis=0)
    return output

if __name__ == "__main__":
    import jax
    _d = setup_inputs()
    print(jax.jit(kernel)(*tuple(_d.values())))

</pallas_src>

<mosaic_0001>
#map = affine_map<(d0, d1) -> (0, 0)>
#map1 = affine_map<(d0, d1) -> (0, 0, 0)>
module attributes {stable_mosaic.version = 14 : i64} {
  func.func @k(%arg0: i32, %arg1: i32, %arg2: memref<4096x50xi32, #tpu.memory_space<hbm>>, %arg3: memref<1000000x128xf32, #tpu.memory_space<hbm>>, %arg4: memref<4096x50x64xf32, #tpu.memory_space<hbm>>, %arg5: memref<128x50xi32, #tpu.memory_space<vmem>>, %arg6: memref<8x50x128xf32, #tpu.memory_space<vmem>>, %arg7: memref<8x50x128xf32, #tpu.memory_space<vmem>>, %arg8: memref<!tpu.dma_semaphore, #tpu.memory_space<semaphore_mem>>, %arg9: memref<!tpu.dma_semaphore, #tpu.memory_space<semaphore_mem>>) attributes {dimension_semantics = [#tpu.dimension_semantics<core_parallel>, #tpu.dimension_semantics<subcore_parallel>], iteration_bounds = array<i64: 2, 16>, scalar_prefetch = 0 : i64, scratch_operands = 5 : i64, tpu.core_type = #tpu.core_type<sc_vector_subcore>, window_params = [{transform_indices = #map}, {transform_indices = #map}, {transform_indices = #map1}]} {
    %mul3A = arith.constant 2 : i32
    %mul3A_0 = arith.muli %arg1, %mul3A : i32
    %add3A = arith.addi %mul3A_0, %arg0 : i32
    %mul3A_1 = arith.constant 128 : i32
    %mul3A_2 = arith.muli %add3A, %mul3A_1 : i32
    "tpu.region"() ({
      %run_scoped3A = tpu.sem_alloc : memref<!tpu.dma_semaphore, #tpu.memory_space<semaphore_mem>>
      %dma_start3A = arith.constant 0 : i32
      %dma_start3A_8 = tpu.memref_slice %arg2[%mul3A_2, %dma_start3A] : memref<4096x50xi32, #tpu.memory_space<hbm>> -> memref<128x50xi32, #tpu.memory_space<hbm>>
      %dma_start3A_9 = arith.constant 0 : i32
      %dma_start3A_10 = tpu.memref_slice %arg2[%mul3A_2, %dma_start3A_9] : memref<4096x50xi32, #tpu.memory_space<hbm>> -> memref<128x50xi32, #tpu.memory_space<hbm>>
      tpu.enqueue_dma source(%dma_start3A_10 : memref<128x50xi32, #tpu.memory_space<hbm>>) target(%arg5 : memref<128x50xi32, #tpu.memory_space<vmem>>) target_semaphore(%run_scoped3A : memref<!tpu.dma_semaphore, #tpu.memory_space<semaphore_mem>>)
      %dma_wait3A = arith.constant 0 : i32
      %dma_wait3A_11 = tpu.memref_slice %arg2[%mul3A_2, %dma_wait3A] : memref<4096x50xi32, #tpu.memory_space<hbm>> -> memref<128x50xi32, #tpu.memory_space<hbm>>
      %dma_wait3A_12 = arith.constant 0 : i32
      %dma_wait3A_13 = tpu.memref_slice %arg2[%mul3A_2, %dma_wait3A_12] : memref<4096x50xi32, #tpu.memory_space<hbm>> -> memref<128x50xi32, #tpu.memory_space<hbm>>
      tpu.wait_dma2 semaphore(%run_scoped3A : memref<!tpu.dma_semaphore, #tpu.memory_space<semaphore_mem>>) src(%dma_wait3A_13 : memref<128x50xi32, #tpu.memory_space<hbm>>) dst(%arg5 : memref<128x50xi32, #tpu.memory_space<vmem>>)
      tpu.yield
    }) : () -> ()
    %scan3A = arith.constant 0 : i32
    %scan3A_3 = arith.constant 0 : i32
    %scan3A_4 = arith.constant 8 : i32
    %scan3A_5 = arith.addi %scan3A_3, %scan3A_4 : i32
    %scan3A_6 = arith.constant 1 : i32
    scf.for %scan3A_8 = %scan3A_3 to %scan3A_5 step %scan3A_6  : i32 {
      %mul3A_9 = arith.constant 16 : i32
      %mul3A_10 = arith.muli %scan3A_8, %mul3A_9 : i32
      %add3A_11 = arith.constant 0 : i32
      %add3A_12 = arith.addi %mul3A_10, %add3A_11 : i32
      %dma_start3A = arith.constant 0 : i32
      %dma_start3A_13 = arith.constant 0 : i32
      %dma_start3A_14 = arith.constant 0 : i32
      %dma_start3A_15 = tpu.memref_slice %arg6[%dma_start3A, %dma_start3A_13, %dma_start3A_14] : memref<8x50x128xf32, #tpu.memory_space<vmem>> -> memref<1x50x128xf32, #tpu.memory_space<vmem>>
      %dma_start3A_16 = tpu.memref_squeeze %dma_start3A_15 : memref<1x50x128xf32, #tpu.memory_space<vmem>> -> memref<50x128xf32, #tpu.memory_space<vmem>>
      %dma_start3A_17 = arith.constant 0 : i32
      %dma_start3A_18 = tpu.memref_slice %arg5[%add3A_12, %dma_start3A_17] : memref<128x50xi32, #tpu.memory_space<vmem>> -> memref<1x50xi32, #tpu.memory_space<vmem>>
      %dma_start3A_19 = tpu.memref_squeeze %dma_start3A_18 : memref<1x50xi32, #tpu.memory_space<vmem>> -> memref<50xi32, #tpu.memory_space<vmem>>
      %dma_start3A_20 = arith.constant 0 : i32
      %dma_start3A_21 = arith.constant 0 : i32
      %dma_start3A_22 = tpu.memref_slice %arg3[%dma_start3A_20, %dma_start3A_21] : memref<1000000x128xf32, #tpu.memory_space<hbm>> -> memref<1000000x128xf32, #tpu.memory_space<hbm>>
      tpu.enqueue_indirect_dma source(%dma_start3A_22 : memref<1000000x128xf32, #tpu.memory_space<hbm>>) target(%dma_start3A_16 : memref<50x128xf32, #tpu.memory_space<vmem>>) offsets(%dma_start3A_19 : memref<50xi32, #tpu.memory_space<vmem>>) semaphore(%arg8 : memref<!tpu.dma_semaphore, #tpu.memory_space<semaphore_mem>>)
      %add3A_23 = arith.constant 1 : i32
      %add3A_24 = arith.addi %mul3A_10, %add3A_23 : i32
      %dma_start3A_25 = arith.constant 1 : i32
      %dma_start3A_26 = arith.constant 0 : i32
      %dma_start3A_27 = arith.constant 0 : i32
      %dma_start3A_28 = tpu.memref_slice %arg6[%dma_start3A_25, %dma_start3A_26, %dma_start3A_27] : memref<8x50x128xf32, #tpu.memory_space<vmem>> -> memref<1x50x128xf32, #tpu.memory_space<vmem>>
      %dma_start3A_29 = tpu.memref_squeeze %dma_start3A_28 : memref<1x50x128xf32, #tpu.memory_space<vmem>> -> memref<50x128xf32, #tpu.memory_space<vmem>>
      %dma_start3A_30 = arith.constant 0 : i32
      %dma_start3A_31 = tpu.memref_slice %arg5[%add3A_24, %dma_start3A_30] : memref<128x50xi32, #tpu.memory_space<vmem>> -> memref<1x50xi32, #tpu.memory_space<vmem>>
      %dma_start3A_32 = tpu.memref_squeeze %dma_start3A_31 : memref<1x50xi32, #tpu.memory_space<vmem>> -> memref<50xi32, #tpu.memory_space<vmem>>
      %dma_start3A_33 = arith.constant 0 : i32
      %dma_start3A_34 = arith.constant 0 : i32
      %dma_start3A_35 = tpu.memref_slice %arg3[%dma_start3A_33, %dma_start3A_34] : memref<1000000x128xf32, #tpu.memory_space<hbm>> -> memref<1000000x128xf32, #tpu.memory_space<hbm>>
      tpu.enqueue_indirect_dma source(%dma_start3A_35 : memref<1000000x128xf32, #tpu.memory_space<hbm>>) target(%dma_start3A_29 : memref<50x128xf32, #tpu.memory_space<vmem>>) offsets(%dma_start3A_32 : memref<50xi32, #tpu.memory_space<vmem>>) semaphore(%arg8 : memref<!tpu.dma_semaphore, #tpu.memory_space<semaphore_mem>>)
      %add3A_36 = arith.constant 2 : i32
      %add3A_37 = arith.addi %mul3A_10, %add3A_36 : i32
      %dma_start3A_38 = arith.constant 2 : i32
      %dma_start3A_39 = arith.constant 0 : i32
      %dma_start3A_40 = arith.constant 0 : i32
      %dma_start3A_41 = tpu.memref_slice %arg6[%dma_start3A_38, %dma_start3A_39, %dma_start3A_40] : memref<8x50x128xf32, #tpu.memory_space<vmem>> -> memref<1x50x128xf32, #tpu.memory_space<vmem>>
      %dma_start3A_42 = tpu.memref_squeeze %dma_start3A_41 : memref<1x50x128xf32, #tpu.memory_space<vmem>> -> memref<50x128xf32, #tpu.memory_space<vmem>>
      %dma_start3A_43 = arith.constant 0 : i32
      %dma_start3A_44 = tpu.memref_slice %arg5[%add3A_37, %dma_start3A_43] : memref<128x50xi32, #tpu.memory_space<vmem>> -> memref<1x50xi32, #tpu.memory_space<vmem>>
      %dma_start3A_45 = tpu.memref_squeeze %dma_start3A_44 : memref<1x50xi32, #tpu.memory_space<vmem>> -> memref<50xi32, #tpu.memory_space<vmem>>
      %dma_start3A_46 = arith.constant 0 : i32
      %dma_start3A_47 = arith.constant 0 : i32
      %dma_start3A_48 = tpu.memref_slice %arg3[%dma_start3A_46, %dma_start3A_47] : memref<1000000x128xf32, #tpu.memory_space<hbm>> -> memref<1000000x128xf32, #tpu.memory_space<hbm>>
      tpu.enqueue_indirect_dma source(%dma_start3A_48 : memref<1000000x128xf32, #tpu.memory_space<hbm>>) target(%dma_start3A_42 : memref<50x128xf32, #tpu.memory_space<vmem>>) offsets(%dma_start3A_45 : memref<50xi32, #tpu.memory_space<vmem>>) semaphore(%arg8 : memref<!tpu.dma_semaphore, #tpu.memory_space<semaphore_mem>>)
      %add3A_49 = arith.constant 3 : i32
      %add3A_50 = arith.addi %mul3A_10, %add3A_49 : i32
      %dma_start3A_51 = arith.constant 3 : i32
      %dma_start3A_52 = arith.constant 0 : i32
      %dma_start3A_53 = arith.constant 0 : i32
      %dma_start3A_54 = tpu.memref_slice %arg6[%dma_start3A_51, %dma_start3A_52, %dma_start3A_53] : memref<8x50x128xf32, #tpu.memory_space<vmem>> -> memref<1x50x128xf32, #tpu.memory_space<vmem>>
      %dma_start3A_55 = tpu.memref_squeeze %dma_start3A_54 : memref<1x50x128xf32, #tpu.memory_space<vmem>> -> memref<50x128xf32, #tpu.memory_space<vmem>>
      %dma_start3A_56 = arith.constant 0 : i32
      %dma_start3A_57 = tpu.memref_slice %arg5[%add3A_50, %dma_start3A_56] : memref<128x50xi32, #tpu.memory_space<vmem>> -> memref<1x50xi32, #tpu.memory_space<vmem>>
      %dma_start3A_58 = tpu.memref_squeeze %dma_start3A_57 : memref<1x50xi32, #tpu.memory_space<vmem>> -> memref<50xi32, #tpu.memory_space<vmem>>
      %dma_start3A_59 = arith.constant 0 : i32
      %dma_start3A_60 = arith.constant 0 : i32
      %dma_start3A_61 = tpu.memref_slice %arg3[%dma_start3A_59, %dma_start3A_60] : memref<1000000x128xf32, #tpu.memory_space<hbm>> -> memref<1000000x128xf32, #tpu.memory_space<hbm>>
      tpu.enqueue_indirect_dma source(%dma_start3A_61 : memref<1000000x128xf32, #tpu.memory_space<hbm>>) target(%dma_start3A_55 : memref<50x128xf32, #tpu.memory_space<vmem>>) offsets(%dma_start3A_58 : memref<50xi32, #tpu.memory_space<vmem>>) semaphore(%arg8 : memref<!tpu.dma_semaphore, #tpu.memory_space<semaphore_mem>>)
      %add3A_62 = arith.constant 4 : i32
      %add3A_63 = arith.addi %mul3A_10, %add3A_62 : i32
      %dma_start3A_64 = arith.constant 4 : i32
      %dma_start3A_65 = arith.constant 0 : i32
      %dma_start3A_66 = arith.constant 0 : i32
      %dma_start3A_67 = tpu.memref_slice %arg6[%dma_start3A_64, %dma_start3A_65, %dma_start3A_66] : memref<8x50x128xf32, #tpu.memory_space<vmem>> -> memref<1x50x128xf32, #tpu.memory_space<vmem>>
      %dma_start3A_68 = tpu.memref_squeeze %dma_start3A_67 : memref<1x50x128xf32, #tpu.memory_space<vmem>> -> memref<50x128xf32, #tpu.memory_space<vmem>>
      %dma_start3A_69 = arith.constant 0 : i32
      %dma_start3A_70 = tpu.memref_slice %arg5[%add3A_63, %dma_start3A_69] : memref<128x50xi32, #tpu.memory_space<vmem>> -> memref<1x50xi32, #tpu.memory_space<vmem>>
      %dma_start3A_71 = tpu.memref_squeeze %dma_start3A_70 : memref<1x50xi32, #tpu.memory_space<vmem>> -> memref<50xi32, #tpu.memory_space<vmem>>
      %dma_start3A_72 = arith.constant 0 : i32
      %dma_start3A_73 = arith.constant 0 : i32
      %dma_start3A_74 = tpu.memref_slice %arg3[%dma_start3A_72, %dma_start3A_73] : memref<1000000x128xf32, #tpu.memory_space<hbm>> -> memref<1000000x128xf32, #tpu.memory_space<hbm>>
      tpu.enqueue_indirect_dma source(%dma_start3A_74 : memref<1000000x128xf32, #tpu.memory_space<hbm>>) target(%dma_start3A_68 : memref<50x128xf32, #tpu.memory_space<vmem>>) offsets(%dma_start3A_71 : memref<50xi32, #tpu.memory_space<vmem>>) semaphore(%arg8 : memref<!tpu.dma_semaphore, #tpu.memory_space<semaphore_mem>>)
      %add3A_75 = arith.constant 5 : i32
      %add3A_76 = arith.addi %mul3A_10, %add3A_75 : i32
      %dma_start3A_77 = arith.constant 5 : i32
      %dma_start3A_78 = arith.constant 0 : i32
      %dma_start3A_79 = arith.constant 0 : i32
      %dma_start3A_80 = tpu.memref_slice %arg6[%dma_start3A_77, %dma_start3A_78, %dma_start3A_79] : memref<8x50x128xf32, #tpu.memory_space<vmem>> -> memref<1x50x128xf32, #tpu.memory_space<vmem>>
      %dma_start3A_81 = tpu.memref_squeeze %dma_start3A_80 : memref<1x50x128xf32, #tpu.memory_space<vmem>> -> memref<50x128xf32, #tpu.memory_space<vmem>>
      %dma_start3A_82 = arith.constant 0 : i32
      %dma_start3A_83 = tpu.memref_slice %arg5[%add3A_76, %dma_start3A_82] : memref<128x50xi32, #tpu.memory_space<vmem>> -> memref<1x50xi32, #tpu.memory_space<vmem>>
      %dma_start3A_84 = tpu.memref_squeeze %dma_start3A_83 : memref<1x50xi32, #tpu.memory_space<vmem>> -> memref<50xi32, #tpu.memory_space<vmem>>
      %dma_start3A_85 = arith.constant 0 : i32
      %dma_start3A_86 = arith.constant 0 : i32
      %dma_start3A_87 = tpu.memref_slice %arg3[%dma_start3A_85, %dma_start3A_86] : memref<1000000x128xf32, #tpu.memory_space<hbm>> -> memref<1000000x128xf32, #tpu.memory_space<hbm>>
      tpu.enqueue_indirect_dma source(%dma_start3A_87 : memref<1000000x128xf32, #tpu.memory_space<hbm>>) target(%dma_start3A_81 : memref<50x128xf32, #tpu.memory_space<vmem>>) offsets(%dma_start3A_84 : memref<50xi32, #tpu.memory_space<vmem>>) semaphore(%arg8 : memref<!tpu.dma_semaphore, #tpu.memory_space<semaphore_mem>>)
      %add3A_88 = arith.constant 6 : i32
      %add3A_89 = arith.addi %mul3A_10, %add3A_88 : i32
      %dma_start3A_90 = arith.constant 6 : i32
      %dma_start3A_91 = arith.constant 0 : i32
      %dma_start3A_92 = arith.constant 0 : i32
      %dma_start3A_93 = tpu.memref_slice %arg6[%dma_start3A_90, %dma_start3A_91, %dma_start3A_92] : memref<8x50x128xf32, #tpu.memory_space<vmem>> -> memref<1x50x128xf32, #tpu.memory_space<vmem>>
      %dma_start3A_94 = tpu.memref_squeeze %dma_start3A_93 : memref<1x50x128xf32, #tpu.memory_space<vmem>> -> memref<50x128xf32, #tpu.memory_space<vmem>>
      %dma_start3A_95 = arith.constant 0 : i32
      %dma_start3A_96 = tpu.memref_slice %arg5[%add3A_89, %dma_start3A_95] : memref<128x50xi32, #tpu.memory_space<vmem>> -> memref<1x50xi32, #tpu.memory_space<vmem>>
      %dma_start3A_97 = tpu.memref_squeeze %dma_start3A_96 : memref<1x50xi32, #tpu.memory_space<vmem>> -> memref<50xi32, #tpu.memory_space<vmem>>
      %dma_start3A_98 = arith.constant 0 : i32
      %dma_start3A_99 = arith.constant 0 : i32
      %dma_start3A_100 = tpu.memref_slice %arg3[%dma_start3A_98, %dma_start3A_99] : memref<1000000x128xf32, #tpu.memory_space<hbm>> -> memref<1000000x128xf32, #tpu.memory_space<hbm>>
      tpu.enqueue_indirect_dma source(%dma_start3A_100 : memref<1000000x128xf32, #tpu.memory_space<hbm>>) target(%dma_start3A_94 : memref<50x128xf32, #tpu.memory_space<vmem>>) offsets(%dma_start3A_97 : memref<50xi32, #tpu.memory_space<vmem>>) semaphore(%arg8 : memref<!tpu.dma_semaphore, #tpu.memory_space<semaphore_mem>>)
      %add3A_101 = arith.constant 7 : i32
      %add3A_102 = arith.addi %mul3A_10, %add3A_101 : i32
      %dma_start3A_103 = arith.constant 7 : i32
      %dma_start3A_104 = arith.constant 0 : i32
      %dma_start3A_105 = arith.constant 0 : i32
      %dma_start3A_106 = tpu.memref_slice %arg6[%dma_start3A_103, %dma_start3A_104, %dma_start3A_105] : memref<8x50x128xf32, #tpu.memory_space<vmem>> -> memref<1x50x128xf32, #tpu.memory_space<vmem>>
      %dma_start3A_107 = tpu.memref_squeeze %dma_start3A_106 : memref<1x50x128xf32, #tpu.memory_space<vmem>> -> memref<50x128xf32, #tpu.memory_space<vmem>>
      %dma_start3A_108 = arith.constant 0 : i32
      %dma_start3A_109 = tpu.memref_slice %arg5[%add3A_102, %dma_start3A_108] : memref<128x50xi32, #tpu.memory_space<vmem>> -> memref<1x50xi32, #tpu.memory_space<vmem>>
      %dma_start3A_110 = tpu.memref_squeeze %dma_start3A_109 : memref<1x50xi32, #tpu.memory_space<vmem>> -> memref<50xi32, #tpu.memory_space<vmem>>
      %dma_start3A_111 = arith.constant 0 : i32
      %dma_start3A_112 = arith.constant 0 : i32
      %dma_start3A_113 = tpu.memref_slice %arg3[%dma_start3A_111, %dma_start3A_112] : memref<1000000x128xf32, #tpu.memory_space<hbm>> -> memref<1000000x128xf32, #tpu.memory_space<hbm>>
      tpu.enqueue_indirect_dma source(%dma_start3A_113 : memref<1000000x128xf32, #tpu.memory_space<hbm>>) target(%dma_start3A_107 : memref<50x128xf32, #tpu.memory_space<vmem>>) offsets(%dma_start3A_110 : memref<50xi32, #tpu.memory_space<vmem>>) semaphore(%arg8 : memref<!tpu.dma_semaphore, #tpu.memory_space<semaphore_mem>>)
      %dma_wait3A = arith.constant 0 : i32
      %dma_wait3A_114 = arith.constant 0 : i32
      %dma_wait3A_115 = arith.constant 0 : i32
      %dma_wait3A_116 = tpu.memref_slice %arg6[%dma_wait3A, %dma_wait3A_114, %dma_wait3A_115] : memref<8x50x128xf32, #tpu.memory_space<vmem>> -> memref<1x50x128xf32, #tpu.memory_space<vmem>>
      %dma_wait3A_117 = tpu.memref_squeeze %dma_wait3A_116 : memref<1x50x128xf32, #tpu.memory_space<vmem>> -> memref<50x128xf32, #tpu.memory_space<vmem>>
      %dma_wait3A_118 = arith.constant 0 : i32
      %dma_wait3A_119 = tpu.memref_slice %arg5[%add3A_12, %dma_wait3A_118] : memref<128x50xi32, #tpu.memory_space<vmem>> -> memref<1x50xi32, #tpu.memory_space<vmem>>
      %dma_wait3A_120 = tpu.memref_squeeze %dma_wait3A_119 : memref<1x50xi32, #tpu.memory_space<vmem>> -> memref<50xi32, #tpu.memory_space<vmem>>
      %dma_wait3A_121 = arith.constant 0 : i32
      %dma_wait3A_122 = arith.constant 0 : i32
      %dma_wait3A_123 = tpu.memref_slice %arg3[%dma_wait3A_121, %dma_wait3A_122] : memref<1000000x128xf32, #tpu.memory_space<hbm>> -> memref<1000000x128xf32, #tpu.memory_space<hbm>>
      tpu.wait_indirect_dma semaphore(%arg8 : memref<!tpu.dma_semaphore, #tpu.memory_space<semaphore_mem>>) src(%dma_wait3A_123 : memref<1000000x128xf32, #tpu.memory_space<hbm>>) dst(%dma_wait3A_117 : memref<50x128xf32, #tpu.memory_space<vmem>>)
      %dma_wait3A_124 = arith.constant 1 : i32
      %dma_wait3A_125 = arith.constant 0 : i32
      %dma_wait3A_126 = arith.constant 0 : i32
      %dma_wait3A_127 = tpu.memref_slice %arg6[%dma_wait3A_124, %dma_wait3A_125, %dma_wait3A_126] : memref<8x50x128xf32, #tpu.memory_space<vmem>> -> memref<1x50x128xf32, #tpu.memory_space<vmem>>
      %dma_wait3A_128 = tpu.memref_squeeze %dma_wait3A_127 : memref<1x50x128xf32, #tpu.memory_space<vmem>> -> memref<50x128xf32, #tpu.memory_space<vmem>>
      %dma_wait3A_129 = arith.constant 0 : i32
      %dma_wait3A_130 = tpu.memref_slice %arg5[%add3A_24, %dma_wait3A_129] : memref<128x50xi32, #tpu.memory_space<vmem>> -> memref<1x50xi32, #tpu.memory_space<vmem>>
      %dma_wait3A_131 = tpu.memref_squeeze %dma_wait3A_130 : memref<1x50xi32, #tpu.memory_space<vmem>> -> memref<50xi32, #tpu.memory_space<vmem>>
      %dma_wait3A_132 = arith.constant 0 : i32
      %dma_wait3A_133 = arith.constant 0 : i32
      %dma_wait3A_134 = tpu.memref_slice %arg3[%dma_wait3A_132, %dma_wait3A_133] : memref<1000000x128xf32, #tpu.memory_space<hbm>> -> memref<1000000x128xf32, #tpu.memory_space<hbm>>
      tpu.wait_indirect_dma semaphore(%arg8 : memref<!tpu.dma_semaphore, #tpu.memory_space<semaphore_mem>>) src(%dma_wait3A_134 : memref<1000000x128xf32, #tpu.memory_space<hbm>>) dst(%dma_wait3A_128 : memref<50x128xf32, #tpu.memory_space<vmem>>)
      %dma_wait3A_135 = arith.constant 2 : i32
      %dma_wait3A_136 = arith.constant 0 : i32
      %dma_wait3A_137 = arith.constant 0 : i32
      %dma_wait3A_138 = tpu.memref_slice %arg6[%dma_wait3A_135, %dma_wait3A_136, %dma_wait3A_137] : memref<8x50x128xf32, #tpu.memory_space<vmem>> -> memref<1x50x128xf32, #tpu.memory_space<vmem>>
      %dma_wait3A_139 = tpu.memref_squeeze %dma_wait3A_138 : memref<1x50x128xf32, #tpu.memory_space<vmem>> -> memref<50x128xf32, #tpu.memory_space<vmem>>
      %dma_wait3A_140 = arith.constant 0 : i32
      %dma_wait3A_141 = tpu.memref_slice %arg5[%add3A_37, %dma_wait3A_140] : memref<128x50xi32, #tpu.memory_space<vmem>> -> memref<1x50xi32, #tpu.memory_space<vmem>>
      %dma_wait3A_142 = tpu.memref_squeeze %dma_wait3A_141 : memref<1x50xi32, #tpu.memory_space<vmem>> -> memref<50xi32, #tpu.memory_space<vmem>>
      %dma_wait3A_143 = arith.constant 0 : i32
      %dma_wait3A_144 = arith.constant 0 : i32
      %dma_wait3A_145 = tpu.memref_slice %arg3[%dma_wait3A_143, %dma_wait3A_144] : memref<1000000x128xf32, #tpu.memory_space<hbm>> -> memref<1000000x128xf32, #tpu.memory_space<hbm>>
      tpu.wait_indirect_dma semaphore(%arg8 : memref<!tpu.dma_semaphore, #tpu.memory_space<semaphore_mem>>) src(%dma_wait3A_145 : memref<1000000x128xf32, #tpu.memory_space<hbm>>) dst(%dma_wait3A_139 : memref<50x128xf32, #tpu.memory_space<vmem>>)
      %dma_wait3A_146 = arith.constant 3 : i32
      %dma_wait3A_147 = arith.constant 0 : i32
      %dma_wait3A_148 = arith.constant 0 : i32
      %dma_wait3A_149 = tpu.memref_slice %arg6[%dma_wait3A_146, %dma_wait3A_147, %dma_wait3A_148] : memref<8x50x128xf32, #tpu.memory_space<vmem>> -> memref<1x50x128xf32, #tpu.memory_space<vmem>>
      %dma_wait3A_150 = tpu.memref_squeeze %dma_wait3A_149 : memref<1x50x128xf32, #tpu.memory_space<vmem>> -> memref<50x128xf32, #tpu.memory_space<vmem>>
      %dma_wait3A_151 = arith.constant 0 : i32
      %dma_wait3A_152 = tpu.memref_slice %arg5[%add3A_50, %dma_wait3A_151] : memref<128x50xi32, #tpu.memory_space<vmem>> -> memref<1x50xi32, #tpu.memory_space<vmem>>
      %dma_wait3A_153 = tpu.memref_squeeze %dma_wait3A_152 : memref<1x50xi32, #tpu.memory_space<vmem>> -> memref<50xi32, #tpu.memory_space<vmem>>
      %dma_wait3A_154 = arith.constant 0 : i32
      %dma_wait3A_155 = arith.constant 0 : i32
      %dma_wait3A_156 = tpu.memref_slice %arg3[%dma_wait3A_154, %dma_wait3A_155] : memref<1000000x128xf32, #tpu.memory_space<hbm>> -> memref<1000000x128xf32, #tpu.memory_space<hbm>>
      tpu.wait_indirect_dma semaphore(%arg8 : memref<!tpu.dma_semaphore, #tpu.memory_space<semaphore_mem>>) src(%dma_wait3A_156 : memref<1000000x128xf32, #tpu.memory_space<hbm>>) dst(%dma_wait3A_150 : memref<50x128xf32, #tpu.memory_space<vmem>>)
      %dma_wait3A_157 = arith.constant 4 : i32
      %dma_wait3A_158 = arith.constant 0 : i32
      %dma_wait3A_159 = arith.constant 0 : i32
      %dma_wait3A_160 = tpu.memref_slice %arg6[%dma_wait3A_157, %dma_wait3A_158, %dma_wait3A_159] : memref<8x50x128xf32, #tpu.memory_space<vmem>> -> memref<1x50x128xf32, #tpu.memory_space<vmem>>
      %dma_wait3A_161 = tpu.memref_squeeze %dma_wait3A_160 : memref<1x50x128xf32, #tpu.memory_space<vmem>> -> memref<50x128xf32, #tpu.memory_space<vmem>>
      %dma_wait3A_162 = arith.constant 0 : i32
      %dma_wait3A_163 = tpu.memref_slice %arg5[%add3A_63, %dma_wait3A_162] : memref<128x50xi32, #tpu.memory_space<vmem>> -> memref<1x50xi32, #tpu.memory_space<vmem>>
      %dma_wait3A_164 = tpu.memref_squeeze %dma_wait3A_163 : memref<1x50xi32, #tpu.memory_space<vmem>> -> memref<50xi32, #tpu.memory_space<vmem>>
      %dma_wait3A_165 = arith.constant 0 : i32
      %dma_wait3A_166 = arith.constant 0 : i32
      %dma_wait3A_167 = tpu.memref_slice %arg3[%dma_wait3A_165, %dma_wait3A_166] : memref<1000000x128xf32, #tpu.memory_space<hbm>> -> memref<1000000x128xf32, #tpu.memory_space<hbm>>
      tpu.wait_indirect_dma semaphore(%arg8 : memref<!tpu.dma_semaphore, #tpu.memory_space<semaphore_mem>>) src(%dma_wait3A_167 : memref<1000000x128xf32, #tpu.memory_space<hbm>>) dst(%dma_wait3A_161 : memref<50x128xf32, #tpu.memory_space<vmem>>)
      %dma_wait3A_168 = arith.constant 5 : i32
      %dma_wait3A_169 = arith.constant 0 : i32
      %dma_wait3A_170 = arith.constant 0 : i32
      %dma_wait3A_171 = tpu.memref_slice %arg6[%dma_wait3A_168, %dma_wait3A_169, %dma_wait3A_170] : memref<8x50x128xf32, #tpu.memory_space<vmem>> -> memref<1x50x128xf32, #tpu.memory_space<vmem>>
      %dma_wait3A_172 = tpu.memref_squeeze %dma_wait3A_171 : memref<1x50x128xf32, #tpu.memory_space<vmem>> -> memref<50x128xf32, #tpu.memory_space<vmem>>
      %dma_wait3A_173 = arith.constant 0 : i32
      %dma_wait3A_174 = tpu.memref_slice %arg5[%add3A_76, %dma_wait3A_173] : memref<128x50xi32, #tpu.memory_space<vmem>> -> memref<1x50xi32, #tpu.memory_space<vmem>>
      %dma_wait3A_175 = tpu.memref_squeeze %dma_wait3A_174 : memref<1x50xi32, #tpu.memory_space<vmem>> -> memref<50xi32, #tpu.memory_space<vmem>>
      %dma_wait3A_176 = arith.constant 0 : i32
      %dma_wait3A_177 = arith.constant 0 : i32
      %dma_wait3A_178 = tpu.memref_slice %arg3[%dma_wait3A_176, %dma_wait3A_177] : memref<1000000x128xf32, #tpu.memory_space<hbm>> -> memref<1000000x128xf32, #tpu.memory_space<hbm>>
      tpu.wait_indirect_dma semaphore(%arg8 : memref<!tpu.dma_semaphore, #tpu.memory_space<semaphore_mem>>) src(%dma_wait3A_178 : memref<1000000x128xf32, #tpu.memory_space<hbm>>) dst(%dma_wait3A_172 : memref<50x128xf32, #tpu.memory_space<vmem>>)
      %dma_wait3A_179 = arith.constant 6 : i32
      %dma_wait3A_180 = arith.constant 0 : i32
      %dma_wait3A_181 = arith.constant 0 : i32
      %dma_wait3A_182 = tpu.memref_slice %arg6[%dma_wait3A_179, %dma_wait3A_180, %dma_wait3A_181] : memref<8x50x128xf32, #tpu.memory_space<vmem>> -> memref<1x50x128xf32, #tpu.memory_space<vmem>>
      %dma_wait3A_183 = tpu.memref_squeeze %dma_wait3A_182 : memref<1x50x128xf32, #tpu.memory_space<vmem>> -> memref<50x128xf32, #tpu.memory_space<vmem>>
      %dma_wait3A_184 = arith.constant 0 : i32
      %dma_wait3A_185 = tpu.memref_slice %arg5[%add3A_89, %dma_wait3A_184] : memref<128x50xi32, #tpu.memory_space<vmem>> -> memref<1x50xi32, #tpu.memory_space<vmem>>
      %dma_wait3A_186 = tpu.memref_squeeze %dma_wait3A_185 : memref<1x50xi32, #tpu.memory_space<vmem>> -> memref<50xi32, #tpu.memory_space<vmem>>
      %dma_wait3A_187 = arith.constant 0 : i32
      %dma_wait3A_188 = arith.constant 0 : i32
      %dma_wait3A_189 = tpu.memref_slice %arg3[%dma_wait3A_187, %dma_wait3A_188] : memref<1000000x128xf32, #tpu.memory_space<hbm>> -> memref<1000000x128xf32, #tpu.memory_space<hbm>>
      tpu.wait_indirect_dma semaphore(%arg8 : memref<!tpu.dma_semaphore, #tpu.memory_space<semaphore_mem>>) src(%dma_wait3A_189 : memref<1000000x128xf32, #tpu.memory_space<hbm>>) dst(%dma_wait3A_183 : memref<50x128xf32, #tpu.memory_space<vmem>>)
      %dma_wait3A_190 = arith.constant 7 : i32
      %dma_wait3A_191 = arith.constant 0 : i32
      %dma_wait3A_192 = arith.constant 0 : i32
      %dma_wait3A_193 = tpu.memref_slice %arg6[%dma_wait3A_190, %dma_wait3A_191, %dma_wait3A_192] : memref<8x50x128xf32, #tpu.memory_space<vmem>> -> memref<1x50x128xf32, #tpu.memory_space<vmem>>
      %dma_wait3A_194 = tpu.memref_squeeze %dma_wait3A_193 : memref<1x50x128xf32, #tpu.memory_space<vmem>> -> memref<50x128xf32, #tpu.memory_space<vmem>>
      %dma_wait3A_195 = arith.constant 0 : i32
      %dma_wait3A_196 = tpu.memref_slice %arg5[%add3A_102, %dma_wait3A_195] : memref<128x50xi32, #tpu.memory_space<vmem>> -> memref<1x50xi32, #tpu.memory_space<vmem>>
      %dma_wait3A_197 = tpu.memref_squeeze %dma_wait3A_196 : memref<1x50xi32, #tpu.memory_space<vmem>> -> memref<50xi32, #tpu.memory_space<vmem>>
      %dma_wait3A_198 = arith.constant 0 : i32
      %dma_wait3A_199 = arith.constant 0 : i32
      %dma_wait3A_200 = tpu.memref_slice %arg3[%dma_wait3A_198, %dma_wait3A_199] : memref<1000000x128xf32, #tpu.memory_space<hbm>> -> memref<1000000x128xf32, #tpu.memory_space<hbm>>
      tpu.wait_indirect_dma semaphore(%arg8 : memref<!tpu.dma_semaphore, #tpu.memory_space<semaphore_mem>>) src(%dma_wait3A_200 : memref<1000000x128xf32, #tpu.memory_space<hbm>>) dst(%dma_wait3A_194 : memref<50x128xf32, #tpu.memory_space<vmem>>)
      %add3A_201 = arith.addi %mul3A_2, %mul3A_10 : i32
      %dma_start3A_202 = arith.constant 0 : i32
      %dma_start3A_203 = arith.constant 0 : i32
      %dma_start3A_204 = arith.constant 0 : i32
      %dma_start3A_205 = tpu.memref_slice %arg6[%dma_start3A_202, %dma_start3A_203, %dma_start3A_204] : memref<8x50x128xf32, #tpu.memory_space<vmem>> -> memref<8x50x64xf32, #tpu.memory_space<vmem>>
      %dma_start3A_206 = arith.constant 0 : i32
      %dma_start3A_207 = arith.constant 0 : i32
      %dma_start3A_208 = tpu.memref_slice %arg4[%add3A_201, %dma_start3A_206, %dma_start3A_207] : memref<4096x50x64xf32, #tpu.memory_space<hbm>> -> memref<8x50x64xf32, #tpu.memory_space<hbm>>
      %dma_start3A_209 = arith.constant 0 : i32
      %dma_start3A_210 = arith.constant 0 : i32
      %dma_start3A_211 = tpu.memref_slice %arg4[%add3A_201, %dma_start3A_209, %dma_start3A_210] : memref<4096x50x64xf32, #tpu.memory_space<hbm>> -> memref<8x50x64xf32, #tpu.memory_space<hbm>>
      %dma_start3A_212 = arith.constant 0 : i32
      %dma_start3A_213 = arith.constant 0 : i32
      %dma_start3A_214 = arith.constant 0 : i32
      %dma_start3A_215 = tpu.memref_slice %arg6[%dma_start3A_212, %dma_start3A_213, %dma_start3A_214] : memref<8x50x128xf32, #tpu.memory_space<vmem>> -> memref<8x50x64xf32, #tpu.memory_space<vmem>>
      tpu.enqueue_dma source(%dma_start3A_215 : memref<8x50x64xf32, #tpu.memory_space<vmem>>) target(%dma_start3A_211 : memref<8x50x64xf32, #tpu.memory_space<hbm>>) target_semaphore(%arg9 : memref<!tpu.dma_semaphore, #tpu.memory_space<semaphore_mem>>)
      %add3A_216 = arith.constant 8 : i32
      %add3A_217 = arith.addi %mul3A_10, %add3A_216 : i32
      %add3A_218 = arith.constant 0 : i32
      %add3A_219 = arith.addi %add3A_217, %add3A_218 : i32
      %dma_start3A_220 = arith.constant 0 : i32
      %dma_start3A_221 = arith.constant 0 : i32
      %dma_start3A_222 = arith.constant 0 : i32
      %dma_start3A_223 = tpu.memref_slice %arg7[%dma_start3A_220, %dma_start3A_221, %dma_start3A_222] : memref<8x50x128xf32, #tpu.memory_space<vmem>> -> memref<1x50x128xf32, #tpu.memory_space<vmem>>
      %dma_start3A_224 = tpu.memref_squeeze %dma_start3A_223 : memref<1x50x128xf32, #tpu.memory_space<vmem>> -> memref<50x128xf32, #tpu.memory_space<vmem>>
      %dma_start3A_225 = arith.constant 0 : i32
      %dma_start3A_226 = tpu.memref_slice %arg5[%add3A_219, %dma_start3A_225] : memref<128x50xi32, #tpu.memory_space<vmem>> -> memref<1x50xi32, #tpu.memory_space<vmem>>
      %dma_start3A_227 = tpu.memref_squeeze %dma_start3A_226 : memref<1x50xi32, #tpu.memory_space<vmem>> -> memref<50xi32, #tpu.memory_space<vmem>>
      %dma_start3A_228 = arith.constant 0 : i32
      %dma_start3A_229 = arith.constant 0 : i32
      %dma_start3A_230 = tpu.memref_slice %arg3[%dma_start3A_228, %dma_start3A_229] : memref<1000000x128xf32, #tpu.memory_space<hbm>> -> memref<1000000x128xf32, #tpu.memory_space<hbm>>
      tpu.enqueue_indirect_dma source(%dma_start3A_230 : memref<1000000x128xf32, #tpu.memory_space<hbm>>) target(%dma_start3A_224 : memref<50x128xf32, #tpu.memory_space<vmem>>) offsets(%dma_start3A_227 : memref<50xi32, #tpu.memory_space<vmem>>) semaphore(%arg8 : memref<!tpu.dma_semaphore, #tpu.memory_space<semaphore_mem>>)
      %add3A_231 = arith.constant 1 : i32
      %add3A_232 = arith.addi %add3A_217, %add3A_231 : i32
      %dma_start3A_233 = arith.constant 1 : i32
      %dma_start3A_234 = arith.constant 0 : i32
      %dma_start3A_235 = arith.constant 0 : i32
      %dma_start3A_236 = tpu.memref_slice %arg7[%dma_start3A_233, %dma_start3A_234, %dma_start3A_235] : memref<8x50x128xf32, #tpu.memory_space<vmem>> -> memref<1x50x128xf32, #tpu.memory_space<vmem>>
      %dma_start3A_237 = tpu.memref_squeeze %dma_start3A_236 : memref<1x50x128xf32, #tpu.memory_space<vmem>> -> memref<50x128xf32, #tpu.memory_space<vmem>>
      %dma_start3A_238 = arith.constant 0 : i32
      %dma_start3A_239 = tpu.memref_slice %arg5[%add3A_232, %dma_start3A_238] : memref<128x50xi32, #tpu.memory_space<vmem>> -> memref<1x50xi32, #tpu.memory_space<vmem>>
      %dma_start3A_240 = tpu.memref_squeeze %dma_start3A_239 : memref<1x50xi32, #tpu.memory_space<vmem>> -> memref<50xi32, #tpu.memory_space<vmem>>
      %dma_start3A_241 = arith.constant 0 : i32
      %dma_start3A_242 = arith.constant 0 : i32
      %dma_start3A_243 = tpu.memref_slice %arg3[%dma_start3A_241, %dma_start3A_242] : memref<1000000x128xf32, #tpu.memory_space<hbm>> -> memref<1000000x128xf32, #tpu.memory_space<hbm>>
      tpu.enqueue_indirect_dma source(%dma_start3A_243 : memref<1000000x128xf32, #tpu.memory_space<hbm>>) target(%dma_start3A_237 : memref<50x128xf32, #tpu.memory_space<vmem>>) offsets(%dma_start3A_240 : memref<50xi32, #tpu.memory_space<vmem>>) semaphore(%arg8 : memref<!tpu.dma_semaphore, #tpu.memory_space<semaphore_mem>>)
      %add3A_244 = arith.constant 2 : i32
      %add3A_245 = arith.addi %add3A_217, %add3A_244 : i32
      %dma_start3A_246 = arith.constant 2 : i32
      %dma_start3A_247 = arith.constant 0 : i32
      %dma_start3A_248 = arith.constant 0 : i32
      %dma_start3A_249 = tpu.memref_slice %arg7[%dma_start3A_246, %dma_start3A_247, %dma_start3A_248] : memref<8x50x128xf32, #tpu.memory_space<vmem>> -> memref<1x50x128xf32, #tpu.memory_space<vmem>>
      %dma_start3A_250 = tpu.memref_squeeze %dma_start3A_249 : memref<1x50x128xf32, #tpu.memory_space<vmem>> -> memref<50x128xf32, #tpu.memory_space<vmem>>
      %dma_start3A_251 = arith.constant 0 : i32
      %dma_start3A_252 = tpu.memref_slice %arg5[%add3A_245, %dma_start3A_251] : memref<128x50xi32, #tpu.memory_space<vmem>> -> memref<1x50xi32, #tpu.memory_space<vmem>>
      %dma_start3A_253 = tpu.memref_squeeze %dma_start3A_252 : memref<1x50xi32, #tpu.memory_space<vmem>> -> memref<50xi32, #tpu.memory_space<vmem>>
      %dma_start3A_254 = arith.constant 0 : i32
      %dma_start3A_255 = arith.constant 0 : i32
      %dma_start3A_256 = tpu.memref_slice %arg3[%dma_start3A_254, %dma_start3A_255] : memref<1000000x128xf32, #tpu.memory_space<hbm>> -> memref<1000000x128xf32, #tpu.memory_space<hbm>>
      tpu.enqueue_indirect_dma source(%dma_start3A_256 : memref<1000000x128xf32, #tpu.memory_space<hbm>>) target(%dma_start3A_250 : memref<50x128xf32, #tpu.memory_space<vmem>>) offsets(%dma_start3A_253 : memref<50xi32, #tpu.memory_space<vmem>>) semaphore(%arg8 : memref<!tpu.dma_semaphore, #tpu.memory_space<semaphore_mem>>)
      %add3A_257 = arith.constant 3 : i32
      %add3A_258 = arith.addi %add3A_217, %add3A_257 : i32
      %dma_start3A_259 = arith.constant 3 : i32
      %dma_start3A_260 = arith.constant 0 : i32
      %dma_start3A_261 = arith.constant 0 : i32
      %dma_start3A_262 = tpu.memref_slice %arg7[%dma_start3A_259, %dma_start3A_260, %dma_start3A_261] : memref<8x50x128xf32, #tpu.memory_space<vmem>> -> memref<1x50x128xf32, #tpu.memory_space<vmem>>
      %dma_start3A_263 = tpu.memref_squeeze %dma_start3A_262 : memref<1x50x128xf32, #tpu.memory_space<vmem>> -> memref<50x128xf32, #tpu.memory_space<vmem>>
      %dma_start3A_264 = arith.constant 0 : i32
      %dma_start3A_265 = tpu.memref_slice %arg5[%add3A_258, %dma_start3A_264] : memref<128x50xi32, #tpu.memory_space<vmem>> -> memref<1x50xi32, #tpu.memory_space<vmem>>
      %dma_start3A_266 = tpu.memref_squeeze %dma_start3A_265 : memref<1x50xi32, #tpu.memory_space<vmem>> -> memref<50xi32, #tpu.memory_space<vmem>>
      %dma_start3A_267 = arith.constant 0 : i32
      %dma_start3A_268 = arith.constant 0 : i32
      %dma_start3A_269 = tpu.memref_slice %arg3[%dma_start3A_267, %dma_start3A_268] : memref<1000000x128xf32, #tpu.memory_space<hbm>> -> memref<1000000x128xf32, #tpu.memory_space<hbm>>
      tpu.enqueue_indirect_dma source(%dma_start3A_269 : memref<1000000x128xf32, #tpu.memory_space<hbm>>) target(%dma_start3A_263 : memref<50x128xf32, #tpu.memory_space<vmem>>) offsets(%dma_start3A_266 : memref<50xi32, #tpu.memory_space<vmem>>) semaphore(%arg8 : memref<!tpu.dma_semaphore, #tpu.memory_space<semaphore_mem>>)
      %add3A_270 = arith.constant 4 : i32
      %add3A_271 = arith.addi %add3A_217, %add3A_270 : i32
      %dma_start3A_272 = arith.constant 4 : i32
      %dma_start3A_273 = arith.constant 0 : i32
      %dma_start3A_274 = arith.constant 0 : i32
      %dma_start3A_275 = tpu.memref_slice %arg7[%dma_start3A_272, %dma_start3A_273, %dma_start3A_274] : memref<8x50x128xf32, #tpu.memory_space<vmem>> -> memref<1x50x128xf32, #tpu.memory_space<vmem>>
      %dma_start3A_276 = tpu.memref_squeeze %dma_start3A_275 : memref<1x50x128xf32, #tpu.memory_space<vmem>> -> memref<50x128xf32, #tpu.memory_space<vmem>>
      %dma_start3A_277 = arith.constant 0 : i32
      %dma_start3A_278 = tpu.memref_slice %arg5[%add3A_271, %dma_start3A_277] : memref<128x50xi32, #tpu.memory_space<vmem>> -> memref<1x50xi32, #tpu.memory_space<vmem>>
      %dma_start3A_279 = tpu.memref_squeeze %dma_start3A_278 : memref<1x50xi32, #tpu.memory_space<vmem>> -> memref<50xi32, #tpu.memory_space<vmem>>
      %dma_start3A_280 = arith.constant 0 : i32
      %dma_start3A_281 = arith.constant 0 : i32
      %dma_start3A_282 = tpu.memref_slice %arg3[%dma_start3A_280, %dma_start3A_281] : memref<1000000x128xf32, #tpu.memory_space<hbm>> -> memref<1000000x128xf32, #tpu.memory_space<hbm>>
      tpu.enqueue_indirect_dma source(%dma_start3A_282 : memref<1000000x128xf32, #tpu.memory_space<hbm>>) target(%dma_start3A_276 : memref<50x128xf32, #tpu.memory_space<vmem>>) offsets(%dma_start3A_279 : memref<50xi32, #tpu.memory_space<vmem>>) semaphore(%arg8 : memref<!tpu.dma_semaphore, #tpu.memory_space<semaphore_mem>>)
      %add3A_283 = arith.constant 5 : i32
      %add3A_284 = arith.addi %add3A_217, %add3A_283 : i32
      %dma_start3A_285 = arith.constant 5 : i32
      %dma_start3A_286 = arith.constant 0 : i32
      %dma_start3A_287 = arith.constant 0 : i32
      %dma_start3A_288 = tpu.memref_slice %arg7[%dma_start3A_285, %dma_start3A_286, %dma_start3A_287] : memref<8x50x128xf32, #tpu.memory_space<vmem>> -> memref<1x50x128xf32, #tpu.memory_space<vmem>>
      %dma_start3A_289 = tpu.memref_squeeze %dma_start3A_288 : memref<1x50x128xf32, #tpu.memory_space<vmem>> -> memref<50x128xf32, #tpu.memory_space<vmem>>
      %dma_start3A_290 = arith.constant 0 : i32
      %dma_start3A_291 = tpu.memref_slice %arg5[%add3A_284, %dma_start3A_290] : memref<128x50xi32, #tpu.memory_space<vmem>> -> memref<1x50xi32, #tpu.memory_space<vmem>>
      %dma_start3A_292 = tpu.memref_squeeze %dma_start3A_291 : memref<1x50xi32, #tpu.memory_space<vmem>> -> memref<50xi32, #tpu.memory_space<vmem>>
      %dma_start3A_293 = arith.constant 0 : i32
      %dma_start3A_294 = arith.constant 0 : i32
      %dma_start3A_295 = tpu.memref_slice %arg3[%dma_start3A_293, %dma_start3A_294] : memref<1000000x128xf32, #tpu.memory_space<hbm>> -> memref<1000000x128xf32, #tpu.memory_space<hbm>>
      tpu.enqueue_indirect_dma source(%dma_start3A_295 : memref<1000000x128xf32, #tpu.memory_space<hbm>>) target(%dma_start3A_289 : memref<50x128xf32, #tpu.memory_space<vmem>>) offsets(%dma_start3A_292 : memref<50xi32, #tpu.memory_space<vmem>>) semaphore(%arg8 : memref<!tpu.dma_semaphore, #tpu.memory_space<semaphore_mem>>)
      %add3A_296 = arith.constant 6 : i32
      %add3A_297 = arith.addi %add3A_217, %add3A_296 : i32
      %dma_start3A_298 = arith.constant 6 : i32
      %dma_start3A_299 = arith.constant 0 : i32
      %dma_start3A_300 = arith.constant 0 : i32
      %dma_start3A_301 = tpu.memref_slice %arg7[%dma_start3A_298, %dma_start3A_299, %dma_start3A_300] : memref<8x50x128xf32, #tpu.memory_space<vmem>> -> memref<1x50x128xf32, #tpu.memory_space<vmem>>
      %dma_start3A_302 = tpu.memref_squeeze %dma_start3A_301 : memref<1x50x128xf32, #tpu.memory_space<vmem>> -> memref<50x128xf32, #tpu.memory_space<vmem>>
      %dma_start3A_303 = arith.constant 0 : i32
      %dma_start3A_304 = tpu.memref_slice %arg5[%add3A_297, %dma_start3A_303] : memref<128x50xi32, #tpu.memory_space<vmem>> -> memref<1x50xi32, #tpu.memory_space<vmem>>
      %dma_start3A_305 = tpu.memref_squeeze %dma_start3A_304 : memref<1x50xi32, #tpu.memory_space<vmem>> -> memref<50xi32, #tpu.memory_space<vmem>>
      %dma_start3A_306 = arith.constant 0 : i32
      %dma_start3A_307 = arith.constant 0 : i32
      %dma_start3A_308 = tpu.memref_slice %arg3[%dma_start3A_306, %dma_start3A_307] : memref<1000000x128xf32, #tpu.memory_space<hbm>> -> memref<1000000x128xf32, #tpu.memory_space<hbm>>
      tpu.enqueue_indirect_dma source(%dma_start3A_308 : memref<1000000x128xf32, #tpu.memory_space<hbm>>) target(%dma_start3A_302 : memref<50x128xf32, #tpu.memory_space<vmem>>) offsets(%dma_start3A_305 : memref<50xi32, #tpu.memory_space<vmem>>) semaphore(%arg8 : memref<!tpu.dma_semaphore, #tpu.memory_space<semaphore_mem>>)
      %add3A_309 = arith.constant 7 : i32
      %add3A_310 = arith.addi %add3A_217, %add3A_309 : i32
      %dma_start3A_311 = arith.constant 7 : i32
      %dma_start3A_312 = arith.constant 0 : i32
      %dma_start3A_313 = arith.constant 0 : i32
      %dma_start3A_314 = tpu.memref_slice %arg7[%dma_start3A_311, %dma_start3A_312, %dma_start3A_313] : memref<8x50x128xf32, #tpu.memory_space<vmem>> -> memref<1x50x128xf32, #tpu.memory_space<vmem>>
      %dma_start3A_315 = tpu.memref_squeeze %dma_start3A_314 : memref<1x50x128xf32, #tpu.memory_space<vmem>> -> memref<50x128xf32, #tpu.memory_space<vmem>>
      %dma_start3A_316 = arith.constant 0 : i32
      %dma_start3A_317 = tpu.memref_slice %arg5[%add3A_310, %dma_start3A_316] : memref<128x50xi32, #tpu.memory_space<vmem>> -> memref<1x50xi32, #tpu.memory_space<vmem>>
      %dma_start3A_318 = tpu.memref_squeeze %dma_start3A_317 : memref<1x50xi32, #tpu.memory_space<vmem>> -> memref<50xi32, #tpu.memory_space<vmem>>
      %dma_start3A_319 = arith.constant 0 : i32
      %dma_start3A_320 = arith.constant 0 : i32
      %dma_start3A_321 = tpu.memref_slice %arg3[%dma_start3A_319, %dma_start3A_320] : memref<1000000x128xf32, #tpu.memory_space<hbm>> -> memref<1000000x128xf32, #tpu.memory_space<hbm>>
      tpu.enqueue_indirect_dma source(%dma_start3A_321 : memref<1000000x128xf32, #tpu.memory_space<hbm>>) target(%dma_start3A_315 : memref<50x128xf32, #tpu.memory_space<vmem>>) offsets(%dma_start3A_318 : memref<50xi32, #tpu.memory_space<vmem>>) semaphore(%arg8 : memref<!tpu.dma_semaphore, #tpu.memory_space<semaphore_mem>>)
      %dma_wait3A_322 = arith.constant 0 : i32
      %dma_wait3A_323 = arith.constant 0 : i32
      %dma_wait3A_324 = arith.constant 0 : i32
      %dma_wait3A_325 = tpu.memref_slice %arg7[%dma_wait3A_322, %dma_wait3A_323, %dma_wait3A_324] : memref<8x50x128xf32, #tpu.memory_space<vmem>> -> memref<1x50x128xf32, #tpu.memory_space<vmem>>
      %dma_wait3A_326 = tpu.memref_squeeze %dma_wait3A_325 : memref<1x50x128xf32, #tpu.memory_space<vmem>> -> memref<50x128xf32, #tpu.memory_space<vmem>>
      %dma_wait3A_327 = arith.constant 0 : i32
      %dma_wait3A_328 = tpu.memref_slice %arg5[%add3A_219, %dma_wait3A_327] : memref<128x50xi32, #tpu.memory_space<vmem>> -> memref<1x50xi32, #tpu.memory_space<vmem>>
      %dma_wait3A_329 = tpu.memref_squeeze %dma_wait3A_328 : memref<1x50xi32, #tpu.memory_space<vmem>> -> memref<50xi32, #tpu.memory_space<vmem>>
      %dma_wait3A_330 = arith.constant 0 : i32
      %dma_wait3A_331 = arith.constant 0 : i32
      %dma_wait3A_332 = tpu.memref_slice %arg3[%dma_wait3A_330, %dma_wait3A_331] : memref<1000000x128xf32, #tpu.memory_space<hbm>> -> memref<1000000x128xf32, #tpu.memory_space<hbm>>
      tpu.wait_indirect_dma semaphore(%arg8 : memref<!tpu.dma_semaphore, #tpu.memory_space<semaphore_mem>>) src(%dma_wait3A_332 : memref<1000000x128xf32, #tpu.memory_space<hbm>>) dst(%dma_wait3A_326 : memref<50x128xf32, #tpu.memory_space<vmem>>)
      %dma_wait3A_333 = arith.constant 1 : i32
      %dma_wait3A_334 = arith.constant 0 : i32
      %dma_wait3A_335 = arith.constant 0 : i32
      %dma_wait3A_336 = tpu.memref_slice %arg7[%dma_wait3A_333, %dma_wait3A_334, %dma_wait3A_335] : memref<8x50x128xf32, #tpu.memory_space<vmem>> -> memref<1x50x128xf32, #tpu.memory_space<vmem>>
      %dma_wait3A_337 = tpu.memref_squeeze %dma_wait3A_336 : memref<1x50x128xf32, #tpu.memory_space<vmem>> -> memref<50x128xf32, #tpu.memory_space<vmem>>
      %dma_wait3A_338 = arith.constant 0 : i32
      %dma_wait3A_339 = tpu.memref_slice %arg5[%add3A_232, %dma_wait3A_338] : memref<128x50xi32, #tpu.memory_space<vmem>> -> memref<1x50xi32, #tpu.memory_space<vmem>>
      %dma_wait3A_340 = tpu.memref_squeeze %dma_wait3A_339 : memref<1x50xi32, #tpu.memory_space<vmem>> -> memref<50xi32, #tpu.memory_space<vmem>>
      %dma_wait3A_341 = arith.constant 0 : i32
      %dma_wait3A_342 = arith.constant 0 : i32
      %dma_wait3A_343 = tpu.memref_slice %arg3[%dma_wait3A_341, %dma_wait3A_342] : memref<1000000x128xf32, #tpu.memory_space<hbm>> -> memref<1000000x128xf32, #tpu.memory_space<hbm>>
      tpu.wait_indirect_dma semaphore(%arg8 : memref<!tpu.dma_semaphore, #tpu.memory_space<semaphore_mem>>) src(%dma_wait3A_343 : memref<1000000x128xf32, #tpu.memory_space<hbm>>) dst(%dma_wait3A_337 : memref<50x128xf32, #tpu.memory_space<vmem>>)
      %dma_wait3A_344 = arith.constant 2 : i32
      %dma_wait3A_345 = arith.constant 0 : i32
      %dma_wait3A_346 = arith.constant 0 : i32
      %dma_wait3A_347 = tpu.memref_slice %arg7[%dma_wait3A_344, %dma_wait3A_345, %dma_wait3A_346] : memref<8x50x128xf32, #tpu.memory_space<vmem>> -> memref<1x50x128xf32, #tpu.memory_space<vmem>>
      %dma_wait3A_348 = tpu.memref_squeeze %dma_wait3A_347 : memref<1x50x128xf32, #tpu.memory_space<vmem>> -> memref<50x128xf32, #tpu.memory_space<vmem>>
      %dma_wait3A_349 = arith.constant 0 : i32
      %dma_wait3A_350 = tpu.memref_slice %arg5[%add3A_245, %dma_wait3A_349] : memref<128x50xi32, #tpu.memory_space<vmem>> -> memref<1x50xi32, #tpu.memory_space<vmem>>
      %dma_wait3A_351 = tpu.memref_squeeze %dma_wait3A_350 : memref<1x50xi32, #tpu.memory_space<vmem>> -> memref<50xi32, #tpu.memory_space<vmem>>
      %dma_wait3A_352 = arith.constant 0 : i32
      %dma_wait3A_353 = arith.constant 0 : i32
      %dma_wait3A_354 = tpu.memref_slice %arg3[%dma_wait3A_352, %dma_wait3A_353] : memref<1000000x128xf32, #tpu.memory_space<hbm>> -> memref<1000000x128xf32, #tpu.memory_space<hbm>>
      tpu.wait_indirect_dma semaphore(%arg8 : memref<!tpu.dma_semaphore, #tpu.memory_space<semaphore_mem>>) src(%dma_wait3A_354 : memref<1000000x128xf32, #tpu.memory_space<hbm>>) dst(%dma_wait3A_348 : memref<50x128xf32, #tpu.memory_space<vmem>>)
      %dma_wait3A_355 = arith.constant 3 : i32
      %dma_wait3A_356 = arith.constant 0 : i32
      %dma_wait3A_357 = arith.constant 0 : i32
      %dma_wait3A_358 = tpu.memref_slice %arg7[%dma_wait3A_355, %dma_wait3A_356, %dma_wait3A_357] : memref<8x50x128xf32, #tpu.memory_space<vmem>> -> memref<1x50x128xf32, #tpu.memory_space<vmem>>
      %dma_wait3A_359 = tpu.memref_squeeze %dma_wait3A_358 : memref<1x50x128xf32, #tpu.memory_space<vmem>> -> memref<50x128xf32, #tpu.memory_space<vmem>>
      %dma_wait3A_360 = arith.constant 0 : i32
      %dma_wait3A_361 = tpu.memref_slice %arg5[%add3A_258, %dma_wait3A_360] : memref<128x50xi32, #tpu.memory_space<vmem>> -> memref<1x50xi32, #tpu.memory_space<vmem>>
      %dma_wait3A_362 = tpu.memref_squeeze %dma_wait3A_361 : memref<1x50xi32, #tpu.memory_space<vmem>> -> memref<50xi32, #tpu.memory_space<vmem>>
      %dma_wait3A_363 = arith.constant 0 : i32
      %dma_wait3A_364 = arith.constant 0 : i32
      %dma_wait3A_365 = tpu.memref_slice %arg3[%dma_wait3A_363, %dma_wait3A_364] : memref<1000000x128xf32, #tpu.memory_space<hbm>> -> memref<1000000x128xf32, #tpu.memory_space<hbm>>
      tpu.wait_indirect_dma semaphore(%arg8 : memref<!tpu.dma_semaphore, #tpu.memory_space<semaphore_mem>>) src(%dma_wait3A_365 : memref<1000000x128xf32, #tpu.memory_space<hbm>>) dst(%dma_wait3A_359 : memref<50x128xf32, #tpu.memory_space<vmem>>)
      %dma_wait3A_366 = arith.constant 4 : i32
      %dma_wait3A_367 = arith.constant 0 : i32
      %dma_wait3A_368 = arith.constant 0 : i32
      %dma_wait3A_369 = tpu.memref_slice %arg7[%dma_wait3A_366, %dma_wait3A_367, %dma_wait3A_368] : memref<8x50x128xf32, #tpu.memory_space<vmem>> -> memref<1x50x128xf32, #tpu.memory_space<vmem>>
      %dma_wait3A_370 = tpu.memref_squeeze %dma_wait3A_369 : memref<1x50x128xf32, #tpu.memory_space<vmem>> -> memref<50x128xf32, #tpu.memory_space<vmem>>
      %dma_wait3A_371 = arith.constant 0 : i32
      %dma_wait3A_372 = tpu.memref_slice %arg5[%add3A_271, %dma_wait3A_371] : memref<128x50xi32, #tpu.memory_space<vmem>> -> memref<1x50xi32, #tpu.memory_space<vmem>>
      %dma_wait3A_373 = tpu.memref_squeeze %dma_wait3A_372 : memref<1x50xi32, #tpu.memory_space<vmem>> -> memref<50xi32, #tpu.memory_space<vmem>>
      %dma_wait3A_374 = arith.constant 0 : i32
      %dma_wait3A_375 = arith.constant 0 : i32
      %dma_wait3A_376 = tpu.memref_slice %arg3[%dma_wait3A_374, %dma_wait3A_375] : memref<1000000x128xf32, #tpu.memory_space<hbm>> -> memref<1000000x128xf32, #tpu.memory_space<hbm>>
      tpu.wait_indirect_dma semaphore(%arg8 : memref<!tpu.dma_semaphore, #tpu.memory_space<semaphore_mem>>) src(%dma_wait3A_376 : memref<1000000x128xf32, #tpu.memory_space<hbm>>) dst(%dma_wait3A_370 : memref<50x128xf32, #tpu.memory_space<vmem>>)
      %dma_wait3A_377 = arith.constant 5 : i32
      %dma_wait3A_378 = arith.constant 0 : i32
      %dma_wait3A_379 = arith.constant 0 : i32
      %dma_wait3A_380 = tpu.memref_slice %arg7[%dma_wait3A_377, %dma_wait3A_378, %dma_wait3A_379] : memref<8x50x128xf32, #tpu.memory_space<vmem>> -> memref<1x50x128xf32, #tpu.memory_space<vmem>>
      %dma_wait3A_381 = tpu.memref_squeeze %dma_wait3A_380 : memref<1x50x128xf32, #tpu.memory_space<vmem>> -> memref<50x128xf32, #tpu.memory_space<vmem>>
      %dma_wait3A_382 = arith.constant 0 : i32
      %dma_wait3A_383 = tpu.memref_slice %arg5[%add3A_284, %dma_wait3A_382] : memref<128x50xi32, #tpu.memory_space<vmem>> -> memref<1x50xi32, #tpu.memory_space<vmem>>
      %dma_wait3A_384 = tpu.memref_squeeze %dma_wait3A_383 : memref<1x50xi32, #tpu.memory_space<vmem>> -> memref<50xi32, #tpu.memory_space<vmem>>
      %dma_wait3A_385 = arith.constant 0 : i32
      %dma_wait3A_386 = arith.constant 0 : i32
      %dma_wait3A_387 = tpu.memref_slice %arg3[%dma_wait3A_385, %dma_wait3A_386] : memref<1000000x128xf32, #tpu.memory_space<hbm>> -> memref<1000000x128xf32, #tpu.memory_space<hbm>>
      tpu.wait_indirect_dma semaphore(%arg8 : memref<!tpu.dma_semaphore, #tpu.memory_space<semaphore_mem>>) src(%dma_wait3A_387 : memref<1000000x128xf32, #tpu.memory_space<hbm>>) dst(%dma_wait3A_381 : memref<50x128xf32, #tpu.memory_space<vmem>>)
      %dma_wait3A_388 = arith.constant 6 : i32
      %dma_wait3A_389 = arith.constant 0 : i32
      %dma_wait3A_390 = arith.constant 0 : i32
      %dma_wait3A_391 = tpu.memref_slice %arg7[%dma_wait3A_388, %dma_wait3A_389, %dma_wait3A_390] : memref<8x50x128xf32, #tpu.memory_space<vmem>> -> memref<1x50x128xf32, #tpu.memory_space<vmem>>
      %dma_wait3A_392 = tpu.memref_squeeze %dma_wait3A_391 : memref<1x50x128xf32, #tpu.memory_space<vmem>> -> memref<50x128xf32, #tpu.memory_space<vmem>>
      %dma_wait3A_393 = arith.constant 0 : i32
      %dma_wait3A_394 = tpu.memref_slice %arg5[%add3A_297, %dma_wait3A_393] : memref<128x50xi32, #tpu.memory_space<vmem>> -> memref<1x50xi32, #tpu.memory_space<vmem>>
      %dma_wait3A_395 = tpu.memref_squeeze %dma_wait3A_394 : memref<1x50xi32, #tpu.memory_space<vmem>> -> memref<50xi32, #tpu.memory_space<vmem>>
      %dma_wait3A_396 = arith.constant 0 : i32
      %dma_wait3A_397 = arith.constant 0 : i32
      %dma_wait3A_398 = tpu.memref_slice %arg3[%dma_wait3A_396, %dma_wait3A_397] : memref<1000000x128xf32, #tpu.memory_space<hbm>> -> memref<1000000x128xf32, #tpu.memory_space<hbm>>
      tpu.wait_indirect_dma semaphore(%arg8 : memref<!tpu.dma_semaphore, #tpu.memory_space<semaphore_mem>>) src(%dma_wait3A_398 : memref<1000000x128xf32, #tpu.memory_space<hbm>>) dst(%dma_wait3A_392 : memref<50x128xf32, #tpu.memory_space<vmem>>)
      %dma_wait3A_399 = arith.constant 7 : i32
      %dma_wait3A_400 = arith.constant 0 : i32
      %dma_wait3A_401 = arith.constant 0 : i32
      %dma_wait3A_402 = tpu.memref_slice %arg7[%dma_wait3A_399, %dma_wait3A_400, %dma_wait3A_401] : memref<8x50x128xf32, #tpu.memory_space<vmem>> -> memref<1x50x128xf32, #tpu.memory_space<vmem>>
      %dma_wait3A_403 = tpu.memref_squeeze %dma_wait3A_402 : memref<1x50x128xf32, #tpu.memory_space<vmem>> -> memref<50x128xf32, #tpu.memory_space<vmem>>
      %dma_wait3A_404 = arith.constant 0 : i32
      %dma_wait3A_405 = tpu.memref_slice %arg5[%add3A_310, %dma_wait3A_404] : memref<128x50xi32, #tpu.memory_space<vmem>> -> memref<1x50xi32, #tpu.memory_space<vmem>>
      %dma_wait3A_406 = tpu.memref_squeeze %dma_wait3A_405 : memref<1x50xi32, #tpu.memory_space<vmem>> -> memref<50xi32, #tpu.memory_space<vmem>>
      %dma_wait3A_407 = arith.constant 0 : i32
      %dma_wait3A_408 = arith.constant 0 : i32
      %dma_wait3A_409 = tpu.memref_slice %arg3[%dma_wait3A_407, %dma_wait3A_408] : memref<1000000x128xf32, #tpu.memory_space<hbm>> -> memref<1000000x128xf32, #tpu.memory_space<hbm>>
      tpu.wait_indirect_dma semaphore(%arg8 : memref<!tpu.dma_semaphore, #tpu.memory_space<semaphore_mem>>) src(%dma_wait3A_409 : memref<1000000x128xf32, #tpu.memory_space<hbm>>) dst(%dma_wait3A_403 : memref<50x128xf32, #tpu.memory_space<vmem>>)
      %add3A_410 = arith.addi %mul3A_2, %mul3A_10 : i32
      %add3A_411 = arith.constant 8 : i32
      %add3A_412 = arith.addi %add3A_410, %add3A_411 : i32
      %dma_start3A_413 = arith.constant 0 : i32
      %dma_start3A_414 = arith.constant 0 : i32
      %dma_start3A_415 = arith.constant 0 : i32
      %dma_start3A_416 = tpu.memref_slice %arg7[%dma_start3A_413, %dma_start3A_414, %dma_start3A_415] : memref<8x50x128xf32, #tpu.memory_space<vmem>> -> memref<8x50x64xf32, #tpu.memory_space<vmem>>
      %dma_start3A_417 = arith.constant 0 : i32
      %dma_start3A_418 = arith.constant 0 : i32
      %dma_start3A_419 = tpu.memref_slice %arg4[%add3A_412, %dma_start3A_417, %dma_start3A_418] : memref<4096x50x64xf32, #tpu.memory_space<hbm>> -> memref<8x50x64xf32, #tpu.memory_space<hbm>>
      %dma_start3A_420 = arith.constant 0 : i32
      %dma_start3A_421 = arith.constant 0 : i32
      %dma_start3A_422 = tpu.memref_slice %arg4[%add3A_412, %dma_start3A_420, %dma_start3A_421] : memref<4096x50x64xf32, #tpu.memory_space<hbm>> -> memref<8x50x64xf32, #tpu.memory_space<hbm>>
      %dma_start3A_423 = arith.constant 0 : i32
      %dma_start3A_424 = arith.constant 0 : i32
      %dma_start3A_425 = arith.constant 0 : i32
      %dma_start3A_426 = tpu.memref_slice %arg7[%dma_start3A_423, %dma_start3A_424, %dma_start3A_425] : memref<8x50x128xf32, #tpu.memory_space<vmem>> -> memref<8x50x64xf32, #tpu.memory_space<vmem>>
      tpu.enqueue_dma source(%dma_start3A_426 : memref<8x50x64xf32, #tpu.memory_space<vmem>>) target(%dma_start3A_422 : memref<8x50x64xf32, #tpu.memory_space<hbm>>) target_semaphore(%arg9 : memref<!tpu.dma_semaphore, #tpu.memory_space<semaphore_mem>>)
      %dma_wait3A_427 = arith.constant 0 : i32
      %dma_wait3A_428 = arith.constant 0 : i32
      %dma_wait3A_429 = arith.constant 0 : i32
      %dma_wait3A_430 = tpu.memref_slice %arg6[%dma_wait3A_427, %dma_wait3A_428, %dma_wait3A_429] : memref<8x50x128xf32, #tpu.memory_space<vmem>> -> memref<8x50x64xf32, #tpu.memory_space<vmem>>
      %dma_wait3A_431 = arith.constant 0 : i32
      %dma_wait3A_432 = arith.constant 0 : i32
      %dma_wait3A_433 = tpu.memref_slice %arg4[%add3A_201, %dma_wait3A_431, %dma_wait3A_432] : memref<4096x50x64xf32, #tpu.memory_space<hbm>> -> memref<8x50x64xf32, #tpu.memory_space<hbm>>
      %dma_wait3A_434 = arith.constant 0 : i32
      %dma_wait3A_435 = arith.constant 0 : i32
      %dma_wait3A_436 = tpu.memref_slice %arg4[%add3A_201, %dma_wait3A_434, %dma_wait3A_435] : memref<4096x50x64xf32, #tpu.memory_space<hbm>> -> memref<8x50x64xf32, #tpu.memory_space<hbm>>
      %dma_wait3A_437 = arith.constant 0 : i32
      %dma_wait3A_438 = arith.constant 0 : i32
      %dma_wait3A_439 = arith.constant 0 : i32
      %dma_wait3A_440 = tpu.memref_slice %arg6[%dma_wait3A_437, %dma_wait3A_438, %dma_wait3A_439] : memref<8x50x128xf32, #tpu.memory_space<vmem>> -> memref<8x50x64xf32, #tpu.memory_space<vmem>>
      tpu.wait_dma2 semaphore(%arg9 : memref<!tpu.dma_semaphore, #tpu.memory_space<semaphore_mem>>) src(%dma_wait3A_440 : memref<8x50x64xf32, #tpu.memory_space<vmem>>) dst(%dma_wait3A_436 : memref<8x50x64xf32, #tpu.memory_space<hbm>>)
      %dma_wait3A_441 = arith.constant 0 : i32
      %dma_wait3A_442 = arith.constant 0 : i32
      %dma_wait3A_443 = arith.constant 0 : i32
      %dma_wait3A_444 = tpu.memref_slice %arg7[%dma_wait3A_441, %dma_wait3A_442, %dma_wait3A_443] : memref<8x50x128xf32, #tpu.memory_space<vmem>> -> memref<8x50x64xf32, #tpu.memory_space<vmem>>
      %dma_wait3A_445 = arith.constant 0 : i32
      %dma_wait3A_446 = arith.constant 0 : i32
      %dma_wait3A_447 = tpu.memref_slice %arg4[%add3A_412, %dma_wait3A_445, %dma_wait3A_446] : memref<4096x50x64xf32, #tpu.memory_space<hbm>> -> memref<8x50x64xf32, #tpu.memory_space<hbm>>
      %dma_wait3A_448 = arith.constant 0 : i32
      %dma_wait3A_449 = arith.constant 0 : i32
      %dma_wait3A_450 = tpu.memref_slice %arg4[%add3A_412, %dma_wait3A_448, %dma_wait3A_449] : memref<4096x50x64xf32, #tpu.memory_space<hbm>> -> memref<8x50x64xf32, #tpu.memory_space<hbm>>
      %dma_wait3A_451 = arith.constant 0 : i32
      %dma_wait3A_452 = arith.constant 0 : i32
      %dma_wait3A_453 = arith.constant 0 : i32
      %dma_wait3A_454 = tpu.memref_slice %arg7[%dma_wait3A_451, %dma_wait3A_452, %dma_wait3A_453] : memref<8x50x128xf32, #tpu.memory_space<vmem>> -> memref<8x50x64xf32, #tpu.memory_space<vmem>>
      tpu.wait_dma2 semaphore(%arg9 : memref<!tpu.dma_semaphore, #tpu.memory_space<semaphore_mem>>) src(%dma_wait3A_454 : memref<8x50x64xf32, #tpu.memory_space<vmem>>) dst(%dma_wait3A_450 : memref<8x50x64xf32, #tpu.memory_space<hbm>>)
    }
    %scan3A_7 = arith.constant 8 : i32
    return
  }
}

</mosaic_0001>

<sc_bundles>
// kernel: kernel.3.cloned.1.call-start
scs
__scs_entry_jumppad:
0x0: {  	(pc) =	sbr.rel $0x88, $3  }
0x1: {  	(tag) =	ssettag $0x0;
	lr =	simm.s32 $0x1  }
0x2: {  	[smem:$0x3F9F] =	sst lr;
	_ =	strace $0xD0000000  }
0x3: {  	_ = 	snop  }
0x4: {  	_ = 	snop  }
0x5: {  	_ = 	snop  }
0x6: {  	_ = 	snop  }
0x7: {  	_ = 	snop  }
__scs_overlays_trampoline_lowered:
0x8: {  	[smem:$0x3FAE] =	sst s0  }
0x9: {  	[smem:$0x3FAF] =	sst s1  }
0xa: {  	[smem:$0x3FB0] =	sst s2  }
0xb: {  	[smem:$0x3FB1] =	sst s3  }
0xc: {  	[smem:$0x3FB2] =	sst s4  }
0xd: {  	[smem:$0x3FB3] =	sst s5  }
0xe: {  	[smem:$0x3FB4] =	sst s6  }
0xf: {  	[smem:$0x3FB5] =	sst s7  }
0x10: {  	[smem:$0x3FB6] =	sst s8  }
0x11: {  	[smem:$0x3FB7] =	sst s9;
	s0 =	simm.s32 @!p0 $0x0  }
0x12: {  	s1 =	sld [smem:$0x3F9D];
	s0 =	simm.s32 @p0 $0x1  }
0x13: {  	[smem:$0x3FB8] =	sst s0;
	s0 =	simm.s32 @!p1 $0x0  }
0x14: {  	s2 =	sld [smem:$0x3F9C];
	s0 =	simm.s32 @p1 $0x1  }
0x15: {  	[smem:$0x3FB9] =	sst s0;
	s0 =	simm.s32 @!p2 $0x0  }
0x16: {  	s3 =	sld [smem:$0x3FDB];
	s0 =	simm.s32 @p2 $0x1  }
0x17: {  	s4 =	simm.s32 $0x1BF5;
	[smem:$0x3FBB] =	sst s0  }
0x18: {  	s0 =	sld [smem:$0x3F9E];
	_ =	swait.ge [sflag:s4], $0x0  }
0x19: {  	s7 =	sld [smem:$0x3F9F]  }
0x1a: {  	s8 =	sadd.s32 $0xFFFFE003, lr  }
0x1b: {  	s9 =	sadd.s32 $0xFFFFFEF7, lr;
	s5 =	simm.s32 $0xFFFFFFFF;
	p2 =	slt.u32 s8, $0xFFFFF086  }
0x1c: {  	p1 =	slt.u32 s9, $0xF7A;
	s5 =	simm.s32 @!p2 $0x0  }
0x1d: {  	s5 =	simm.s32 @p1 $0x1;
	p0 =	seq.s32 s7, s2  }
0x1e: {  	s7 =	smul.u32 @!p0 $0xF7A, s2;
	p2 =	seq.s32 @!p0 s5, $0x0  }
0x1f: {  	s9 =	smul.u32 $0xF7A, s1;
	s8 =	simm.s32 @!p0 $0x1BF5;
	p2 =	por !p2, p0  }
0x20: {  	[sflag:s8] =	ssyncset.s32 @!p0 $0xFFFFF086;
	s6 =	sadd.s32 @!p0 s3, s7;
	s7 =	simm.s32 @!p0 $0x108  }
0x21: {  	s3 =	sadd.s32 s3, s9;
	s6 =	sadd.s32 @!p0 $0x88, s6;
	s7 =	simm.s32 @p2 $0x1082  }
0x22: {  	[simem:s7], [sflag:s8] =	dma.local @!p0 [hbm:s6], $0xF7A  }
0x23: {  	s9 =	sor.u32 $0xD0000000, s2;
	s6 =	simm.s32 $0x108;
	_ =	swait.ge @!p0 [sflag:s8], $0x0  }
0x24: {  	s3 =	sadd.s32 $0x88, s3;
	s6 =	simm.s32 @!p1 $0x1082;
	[sflag:s4] =	ssyncset.s32 $0xFFFFF086  }
0x25: {  	[simem:s6], [sflag:s4] =	dma.local [hbm:s3], $0xF7A  }
0x26: {  	[smem:$0x3F9F] =	sst s1;
	(tag) =	ssettag s2;
	_ =	strace s9  }
0x27: {  	s1 =	sld [smem:$0x3FAF]  }
0x28: {  	s2 =	sld [smem:$0x3FB0]  }
0x29: {  	s4 =	sld [smem:$0x3FB2]  }
0x2a: {  	p0 =	seq.s32 s5, $0x0;
	s5 =	sld [smem:$0x3FB3]  }
0x2b: {  	s6 =	sld [smem:$0x3FB4]  }
0x2c: {  	s7 =	sld [smem:$0x3FB5]  }
0x2d: {  	s3 =	simm.s32 $0x108;
	s8 =	sld [smem:$0x3FB6]  }
0x2e: {  	s3 =	simm.s32 @!p0 $0x1082;
	s9 =	sld [smem:$0x3FB7]  }
0x2f: {  	lr =	sadd.s32 s0, s3;
	s0 =	sld [smem:$0x3FAE]  }
0x30: {  	s3 =	sld [smem:$0x3FB1]  }
0x31: {  	[smem:$0x3FBA] =	sst s10  }
0x32: {  	s10 =	sld [smem:$0x3FB8];
	_ =	sdelay $0x3  }
0x33: {  	p0 =	seq.s32 s10, $0x1;
	s10 =	sld [smem:$0x3FBA];
	_ =	sdelay $0x3  }
0x34: {  	[smem:$0x3FBA] =	sst s10  }
0x35: {  	s10 =	sld [smem:$0x3FB9];
	_ =	sdelay $0x3  }
0x36: {  	p1 =	seq.s32 s10, $0x1;
	s10 =	sld [smem:$0x3FBA];
	_ =	sdelay $0x3  }
0x37: {  	[smem:$0x3FBA] =	sst s10  }
0x38: {  	s10 =	sld [smem:$0x3FBB]  }
0x39: {  	_ = 	snop;
	(pc) =	sbr.ind lr, $3  }
0x3a: {  	_ = 	snop  }
0x3b: {  	_ = 	snop  }
0x3c: {  	p2 =	seq.s32 s10, $0x1;
	s10 =	sld [smem:$0x3FBA]  }
0x3d: {  	_ =	shalt  }
0x3e: {  	_ =	shalt  }
0x3f: {  	_ =	shalt  }
0x40: {  	_ =	shalt  }
0x41: {  	_ =	shalt  }
0x42: {  	_ =	shalt  }
0x43: {  	_ =	shalt  }
0x44: {  	_ =	shalt  }
0x45: {  	_ =	shalt  }
0x46: {  	_ =	shalt  }
0x47: {  	_ =	shalt  }
0x48: {  	_ =	shalt  }
0x49: {  	_ =	shalt  }
0x4a: {  	_ =	shalt  }
0x4b: {  	_ =	shalt  }
0x4c: {  	_ =	shalt  }
0x4d: {  	_ =	shalt  }
0x4e: {  	_ =	shalt  }
0x4f: {  	_ =	shalt  }
0x50: {  	_ =	shalt  }
0x51: {  	_ =	shalt  }
0x52: {  	_ =	shalt  }
0x53: {  	_ =	shalt  }
0x54: {  	_ =	shalt  }
0x55: {  	_ =	shalt  }
0x56: {  	_ =	shalt  }
0x57: {  	_ =	shalt  }
0x58: {  	_ =	shalt  }
0x59: {  	_ =	shalt  }
0x5a: {  	_ =	shalt  }
0x5b: {  	_ =	shalt  }
0x5c: {  	_ =	shalt  }
0x5d: {  	_ =	shalt  }
0x5e: {  	_ =	shalt  }
0x5f: {  	_ =	shalt  }
0x60: {  	_ =	shalt  }
0x61: {  	_ =	shalt  }
0x62: {  	_ =	shalt  }
0x63: {  	_ =	shalt  }
0x64: {  	_ =	shalt  }
0x65: {  	_ =	shalt  }
0x66: {  	_ =	shalt  }
0x67: {  	_ =	shalt  }
0x68: {  	_ =	shalt  }
0x69: {  	_ =	shalt  }
0x6a: {  	_ =	shalt  }
0x6b: {  	_ =	shalt  }
0x6c: {  	_ =	shalt  }
0x6d: {  	_ =	shalt  }
0x6e: {  	_ =	shalt  }
0x6f: {  	_ =	shalt  }
0x70: {  	_ =	shalt  }
0x71: {  	_ =	shalt  }
0x72: {  	_ =	shalt  }
0x73: {  	_ =	shalt  }
0x74: {  	_ =	shalt  }
0x75: {  	_ =	shalt  }
0x76: {  	_ =	shalt  }
0x77: {  	_ =	shalt  }
0x78: {  	_ =	shalt  }
0x79: {  	_ =	shalt  }
0x7a: {  	_ =	shalt  }
0x7b: {  	_ =	shalt  }
0x7c: {  	_ =	shalt  }
0x7d: {  	_ =	shalt  }
0x7e: {  	_ =	shalt  }
0x7f: {  	_ =	shalt  }
0x80: {  	_ =	shalt  }
0x81: {  	_ =	shalt  }
0x82: {  	_ =	shalt  }
0x83: {  	_ =	shalt  }
0x84: {  	_ =	shalt  }
0x85: {  	_ =	shalt  }
0x86: {  	_ =	shalt  }
0x87: {  	_ =	shalt  }
.Lfunc_end0:
.L_simem_size_0:
called_computation.1_lowered:
.L_overlay_start_0:
0x88: {  	s2 =	sld [smem:$0x3FD9]  }
0x89: {  	s3 =	sld [smem:$0x3FFE];
	_ =	sdelay $0x1  }
0x8a: {  	s1 =	srdreg.scid  }
0x8b: {  	s0 =	sand.u32 $0x1, s1  }
0x8c: {  	s17 =	sshll.u32 s0, $0xA;
	s2 =	sadd.s32 s3, s2  }
0x8d: {  	s2 =	sadd.s32 s2, s17  }
0x8e: {  	[smem:$0x3FC6] =	sst s2  }
0x8f: {  	_ = 	snop  }
0x90: {  	s2 =	sld [smem:$0x3FD0];
	(tm) =	ssettm $0x1  }
0x91: {  	s18 =	sld [smem:$0x3FFB];
	_ =	sdelay $0x3  }
0x92: {  	_ =	strace s18  }
0x93: {  	s3 =	sld [smem:$0x3FFC];
	_ =	sdelay $0x3  }
0x94: {  	_ =	strace s3  }
0x95: {  	s3 =	sld [smem:$0x3FFD];
	_ =	sdelay $0x3  }
0x96: {  	_ =	strace s3  }
0x97: {  	_ =	strace $0x8FFFFFFF  }
0x98: {  	s19 =	sld [smem:$0x3FDB];
	_ =	sdelay $0x1  }
0x99: {  	s4 =	simm.s32 $_scs_section_size  }
0x9a: {  	s5 =	simm.s32 $_size__tile_overlayer_lowered;
	s6 =	simm.s32 $_tile_overlayer_lowered  }
0x9b: {  	s22 =	simm.s32 $0x1BFF;
	s21 =	sshll.u32 s6, $0x1;
	s3 =	sadd.s32 s4, s19  }
0x9c: {  	s7 =	simm.s32 $0x0;
	s20 =	sshll.u32 s5, $0x1;
	s5 =	sadd.s32 s21, s3  }
0x9d: {  	[timem:s7], [sflag:s22] =	dma.local [hbm:s5], s20  }
0x9e: {  	_ =	swait.ge [sflag:s22], s20  }
0x9f: {  	s4 =	ssub.s32 $0x0, s20;
	[sflag:s22] =	ssyncset.done $0x0  }
0xa0: {  	[sflag:s22] =	ssyncadd.s32 s4;
	_ =	sdelay $0x1  }
0xa1: {  	s23 =	simm.s32 $0x1B8B  }
0xa2: {  	_ =	swait.ge [sflag:s23], $0x1  }
0xa3: {  	[sflag:s23] =	ssyncset.done $0x0  }
0xa4: {  	s25 =	simm.s32 $0x1B8E;
	s24 =	sld [smem:$0x3FFE];
	[sflag:s23] =	ssyncadd.s32 $0xFFFFFFFF  }
0xa5: {  	s26 =	simm.s32 $execute0_lowered;
	[smem:$0x3FD2] =	sst s25  }
0xa6: {  	s5 =	sshll.u32 s26, $0x1;
	_ =	strace $0x80000046;
	[dreg:$0x1] =	wrdreg $0xFFFFFFFF  }
0xa7: {  	s28 =	simm.s32 $_size_execute0_lowered;
	s3 =	sadd.s32 s3, s5;
	[dreg:$0x0] =	wrdreg $0x0  }
0xa8: {  	s5 =	sshll.u32 s28, $0x1;
	[dreg:$0x2] =	wrdreg s3  }
0xa9: {  	[dreg:$0x3] =	wrdreg s5  }
0xaa: {  	[dreg:$0x4] =	wrdreg $0xC0  }
0xab: {  	_ =	task [dreg:s7], $0x5FFFF  }
0xac: {  	[dreg:$0x1] =	wrdreg $0xFFFFFFFF  }
0xad: {  	[dreg:$0x0] =	wrdreg $0x60  }
0xae: {  	[dreg:$0x2] =	wrdreg s24  }
0xaf: {  	[dreg:$0x3] =	wrdreg s2  }
0xb0: {  	[dreg:$0x4] =	wrdreg $0x9  }
0xb1: {  	_ =	task.clear_ibuf [dreg:s7], $0x5FFFF;
	_ =	strace $0x90000046  }
0xb2: {  	s29 =	simm.s32 $0x9;
	_ =	strace $0x80000048  }
0xb3: {  	_ =	swait.ge [sflag:s29], $0x1  }
0xb4: {  	[sflag:s29] =	ssyncadd.s32 $0xFFFFFFFF  }
0xb5: {  	_ =	strace $0x90000048  }
0xb6: {  	_ =	sfence  }
0xb7: {  	s30 =	sld [smem:$0x0];
	_ =	sdelay $0x2  }
0xb8: {  	s31 =	sshll.u32 s1, $0xD;
	s1 =	sshrl.u32 s1, $0x2  }
0xb9: {  	s3 =	sand.u32 $0x4000, s31;
	s1 =	sadd.s32 s1, s30  }
0xba: {  	s0 =	sor.u32 s3, s0;
	s1 =	sshll.u32 s1, $0x11  }
0xbb: {  	s0 =	sor.u32 s1, s0  }
0xbc: {  	s0 =	sadd.s32 $0x8F2B, s0  }
0xbd: {  	[sflag:s0] =	ssyncadd.remote.s32 $0x1  }
0xbe: {  	_ =	sfence.sel $0xFFFF  }
0xbf: {  	[dreg:$0x0] =	wrdreg $0xFFFFFFFF;
	(pc) =	sbr.abs _section_cstart, $3  }
0xc0: {  	[dreg:$0x1] =	wrdreg $0xFFFFFFFF  }
0xc1: {  	_ =	task.clear_ibuf [dreg:s7], $0x2FFFF;
	_ =	strace $0x9FFFFFFF  }
0xc2: {  	(tm) =	ssettm $0x7FFFFFFF  }
0xc3: {  	_ =	shalt  }
tec
execute0_lowered:
.L_overlay_start_1:
0x0: {  	(tag) =	ssettag $0x1  }
0x1: {  	s0 =	srdreg.scid;
	s1 =	rddreg [dreg:$0x0]  }
0x2: {  	s3 =	stileid.u32;
	s2 =	rddreg [dreg:$0x1]  }
0x3: {  	s8 =	simm.s32 $0x3;
	s9 =	simm.s32 $0x32;
	s10 =	simm.s32 $0x3500  }
0x4: {  	s11 =	simm.s32 $0x4E00;
	s12 =	simm.s32 $0x6700;
	s13 =	simm.s32 $0x8000  }
0x5: {  	s14 =	simm.s32 $0x9900;
	s15 =	simm.s32 $0xB200;
	s16 =	simm.s32 $0xCB00  }
0x6: {  	s17 =	simm.s32 $0x1;
	s18 =	simm.s32 $0xFD00;
	s19 =	simm.s32 $0x11600  }
0x7: {  	s20 =	simm.s32 $0x12F00;
	s21 =	simm.s32 $0x14800;
	s0 =	sand.u32 $0x1, s0  }
0x8: {  	s22 =	simm.s32 $0x16100;
	s4 =	sshll.u32 s3, $0x8;
	s5 =	sshll.u32 s0, $0x7  }
0x9: {  	s23 =	simm.s32 $0x17A00;
	s0 =	ssub.s32 $0x2, s0;
	s4 =	sor.u32 s5, s4  }
0xa: {  	s24 =	simm.s32 $0x19300;
	s6 =	sshrl.u32 s0, $0x1;
	s5 =	smul.u32 $0x7, s4  }
0xb: {  	s25 =	simm.s32 $0x2;
	s3 =	simm.s32 $0x0;
	s0 =	ssub.s32 s0, s6  }
0xc: {  	[smem:$0x7FF] =	sst s3;
	s0 =	smax.u32 s0, $0x1;
	s7 =	sadd.s32 s5, s1  }
0xd: {  	_ =	strace $0x80000047;
	[dreg:$0x4] =	wrdreg s0;
	s31 =	sadd.s32 $0x800, s7  }
0xe: {  	s26 =	simm.s32 $0x0;
	s5 =	sadd.s32 $0x7800, s1;
	[dreg:$0x3] =	wrdreg s31  }
.LBB2_1:
0xf: {  	s0 =	rddreg [dreg:$0x3]  }
0x10: {  	[tilespmem:s3], [sflag:$0x3] =	stream.linear.gather [hbm4b:s0+s3], $0x1C00, $0x38;
	[tilespmem:$0x1AC00] =	vst v63  }
0x11: {  	_ =	swait.ge [sflag:s8], $0x1C00  }
0x12: {  	[sflag:s8] =	ssyncset.done $0x0  }
0x13: {  	s28 =	simm.s32 $0x0;
	[sflag:s8] =	ssyncadd.s32 $0xFFFFE400  }
.LBB2_2:
0x14: {  	s0 =	smul.u32 $0xE00, s28;
	_ =	sdelay $0x1  }
0x15: {  	s31 =	simm.s32 $0x1C00;
	s29 =	sshra.s32 s0, $0x2  }
0x16: {  	[tilespmem:s31], [sflag:$0x1] =	stream.indirect.gather [hbm4b:s5+s9], $0x80, s29, s9, $0xb8;
	[tilespmem:$0x1AC00] =	vst v63  }
0x17: {  	s0 =	sor.u32 $0x38, s29  }
0x18: {  	[tilespmem:s10], [sflag:$0x1] =	stream.indirect.gather [hbm4b:s5+s9], $0x80, s0, s9, $0xb8;
	[tilespmem:$0x1AC00] =	vst v63  }
0x19: {  	s7 =	sor.u32 $0x70, s29  }
0x1a: {  	[tilespmem:s11], [sflag:$0x1] =	stream.indirect.gather [hbm4b:s5+s9], $0x80, s7, s9, $0xb8;
	[tilespmem:$0x1AC00] =	vst v63  }
0x1b: {  	s1 =	sadd.s32 $0xA8, s29  }
0x1c: {  	[tilespmem:s12], [sflag:$0x1] =	stream.indirect.gather [hbm4b:s5+s9], $0x80, s1, s9, $0xb8;
	[tilespmem:$0x1AC00] =	vst v63  }
0x1d: {  	s6 =	sadd.s32 $0xE0, s29  }
0x1e: {  	[tilespmem:s13], [sflag:$0x1] =	stream.indirect.gather [hbm4b:s5+s9], $0x80, s6, s9, $0xb8;
	[tilespmem:$0x1AC00] =	vst v63  }
0x1f: {  	s7 =	sadd.s32 $0x118, s29  }
0x20: {  	[tilespmem:s14], [sflag:$0x1] =	stream.indirect.gather [hbm4b:s5+s9], $0x80, s7, s9, $0xb8;
	[tilespmem:$0x1AC00] =	vst v63  }
0x21: {  	s1 =	sadd.s32 $0x150, s29  }
0x22: {  	[tilespmem:s15], [sflag:$0x1] =	stream.indirect.gather [hbm4b:s5+s9], $0x80, s1, s9, $0xb8;
	[tilespmem:$0x1AC00] =	vst v63  }
0x23: {  	s6 =	sadd.s32 $0x188, s29  }
0x24: {  	[tilespmem:s16], [sflag:$0x1] =	stream.indirect.gather [hbm4b:s5+s9], $0x80, s6, s9, $0xb8;
	[tilespmem:$0x1AC00] =	vst v63  }
0x25: {  	_ =	swait.ge [sflag:s17], $0x1900  }
0x26: {  	[sflag:s17] =	ssyncset.done $0x0  }
0x27: {  	[sflag:s17] =	ssyncadd.s32 $0xFFFFE700  }
0x28: {  	_ =	swait.ge [sflag:s17], $0x1900  }
0x29: {  	[sflag:s17] =	ssyncset.done $0x0  }
0x2a: {  	[sflag:s17] =	ssyncadd.s32 $0xFFFFE700  }
0x2b: {  	_ =	swait.ge [sflag:s17], $0x1900  }
0x2c: {  	[sflag:s17] =	ssyncset.done $0x0  }
0x2d: {  	[sflag:s17] =	ssyncadd.s32 $0xFFFFE700  }
0x2e: {  	_ =	swait.ge [sflag:s17], $0x1900  }
0x2f: {  	[sflag:s17] =	ssyncset.done $0x0  }
0x30: {  	[sflag:s17] =	ssyncadd.s32 $0xFFFFE700  }
0x31: {  	_ =	swait.ge [sflag:s17], $0x1900  }
0x32: {  	[sflag:s17] =	ssyncset.done $0x0  }
0x33: {  	[sflag:s17] =	ssyncadd.s32 $0xFFFFE700  }
0x34: {  	_ =	swait.ge [sflag:s17], $0x1900  }
0x35: {  	[sflag:s17] =	ssyncset.done $0x0  }
0x36: {  	[sflag:s17] =	ssyncadd.s32 $0xFFFFE700  }
0x37: {  	s7 =	sshll.u32 s28, $0x4;
	_ =	swait.ge [sflag:s17], $0x1900  }
0x38: {  	s30 =	sadd.s32 s4, s7;
	[sflag:s17] =	ssyncset.done $0x0  }
0x39: {  	s0 =	smul.u32 $0x190, s30;
	[sflag:s17] =	ssyncadd.s32 $0xFFFFE700  }
0x3a: {  	_ =	swait.ge [sflag:s17], $0x1900  }
0x3b: {  	s1 =	sadd.s32 s2, s0;
	s0 =	simm.s32 $0x8;
	[sflag:s17] =	ssyncset.done $0x0  }
0x3c: {  	s6 =	simm.s32 $0x1C80;
	s7 =	sadd.s32 $0x0, s1;
	[sflag:s17] =	ssyncadd.s32 $0xFFFFE700  }
.LBB2_3:
0x3d: {  	[hbm4b:s7+s3] =	stream.linear.scatter [tilespmem:s31], [sflag:$0x2], $0x40, $0x38;
	[tilespmem:$0x1AC00] =	vst v63  }
0x3e: {  	s7 =	smov.u32 s0;
	s31 =	smov.u32 s6;
	p0 =	sne.s32 s0, $0xC78  }
.Ltmp0:
0x3f: {  	s0 =	sadd.s32 $0x8, s0;
	(pc) =	sbr.rel @p0 .LBB2_3-.Ltmp0, $2  }
0x40: {  	_ =	sdelay $0x2  }
0x41: {  	s6 =	sadd.s32 $0x80, s6;
	s7 =	sadd.s32 s7, s1  }
0x42: {  	[hbm4b:s7+s3] =	stream.linear.scatter [tilespmem:s31], [sflag:$0x2], $0x40, $0x38;
	[tilespmem:$0x1AC00] =	vst v63  }
0x43: {  	s0 =	sadd.s32 $0x1C0, s29;
	s31 =	simm.s32 $0xE400  }
0x44: {  	[tilespmem:s31], [sflag:$0x1] =	stream.indirect.gather [hbm4b:s5+s9], $0x80, s0, s9, $0xb8;
	[tilespmem:$0x1AC00] =	vst v63  }
0x45: {  	s1 =	sadd.s32 $0x1F8, s29  }
0x46: {  	[tilespmem:s18], [sflag:$0x1] =	stream.indirect.gather [hbm4b:s5+s9], $0x80, s1, s9, $0xb8;
	[tilespmem:$0x1AC00] =	vst v63  }
0x47: {  	s6 =	sadd.s32 $0x230, s29  }
0x48: {  	[tilespmem:s19], [sflag:$0x1] =	stream.indirect.gather [hbm4b:s5+s9], $0x80, s6, s9, $0xb8;
	[tilespmem:$0x1AC00] =	vst v63  }
0x49: {  	s7 =	sadd.s32 $0x268, s29  }
0x4a: {  	[tilespmem:s20], [sflag:$0x1] =	stream.indirect.gather [hbm4b:s5+s9], $0x80, s7, s9, $0xb8;
	[tilespmem:$0x1AC00] =	vst v63  }
0x4b: {  	s1 =	sadd.s32 $0x2A0, s29  }
0x4c: {  	[tilespmem:s21], [sflag:$0x1] =	stream.indirect.gather [hbm4b:s5+s9], $0x80, s1, s9, $0xb8;
	[tilespmem:$0x1AC00] =	vst v63  }
0x4d: {  	s6 =	sadd.s32 $0x2D8, s29  }
0x4e: {  	[tilespmem:s22], [sflag:$0x1] =	stream.indirect.gather [hbm4b:s5+s9], $0x80, s6, s9, $0xb8;
	[tilespmem:$0x1AC00] =	vst v63  }
0x4f: {  	s7 =	sadd.s32 $0x310, s29  }
0x50: {  	[tilespmem:s23], [sflag:$0x1] =	stream.indirect.gather [hbm4b:s5+s9], $0x80, s7, s9, $0xb8;
	[tilespmem:$0x1AC00] =	vst v63  }
0x51: {  	s29 =	sadd.s32 $0x348, s29  }
0x52: {  	[tilespmem:s24], [sflag:$0x1] =	stream.indirect.gather [hbm4b:s5+s9], $0x80, s29, s9, $0xb8;
	[tilespmem:$0x1AC00] =	vst v63  }
0x53: {  	_ =	swait.ge [sflag:s17], $0x1900  }
0x54: {  	[sflag:s17] =	ssyncset.done $0x0  }
0x55: {  	[sflag:s17] =	ssyncadd.s32 $0xFFFFE700  }
0x56: {  	_ =	swait.ge [sflag:s17], $0x1900  }
0x57: {  	[sflag:s17] =	ssyncset.done $0x0  }
0x58: {  	[sflag:s17] =	ssyncadd.s32 $0xFFFFE700  }
0x59: {  	_ =	swait.ge [sflag:s17], $0x1900  }
0x5a: {  	[sflag:s17] =	ssyncset.done $0x0  }
0x5b: {  	[sflag:s17] =	ssyncadd.s32 $0xFFFFE700  }
0x5c: {  	_ =	swait.ge [sflag:s17], $0x1900  }
0x5d: {  	[sflag:s17] =	ssyncset.done $0x0  }
0x5e: {  	[sflag:s17] =	ssyncadd.s32 $0xFFFFE700  }
0x5f: {  	_ =	swait.ge [sflag:s17], $0x1900  }
0x60: {  	[sflag:s17] =	ssyncset.done $0x0  }
0x61: {  	[sflag:s17] =	ssyncadd.s32 $0xFFFFE700  }
0x62: {  	_ =	swait.ge [sflag:s17], $0x1900  }
0x63: {  	[sflag:s17] =	ssyncset.done $0x0  }
0x64: {  	[sflag:s17] =	ssyncadd.s32 $0xFFFFE700  }
0x65: {  	s30 =	smul.u32 $0xC80, s30;
	_ =	swait.ge [sflag:s17], $0x1900  }
0x66: {  	[sflag:s17] =	ssyncset.done $0x0  }
0x67: {  	s0 =	sshrl.u32 s30, $0x3;
	[sflag:s17] =	ssyncadd.s32 $0xFFFFE700  }
0x68: {  	s0 =	sadd.s32 s2, s0;
	_ =	swait.ge [sflag:s17], $0x1900  }
0x69: {  	s1 =	sadd.s32 $0xC80, s0;
	s0 =	simm.s32 $0x8;
	[sflag:s17] =	ssyncset.done $0x0  }
0x6a: {  	s6 =	simm.s32 $0xE480;
	s7 =	sadd.s32 $0x0, s1;
	[sflag:s17] =	ssyncadd.s32 $0xFFFFE700  }
.LBB2_5:
0x6b: {  	[hbm4b:s7+s3] =	stream.linear.scatter [tilespmem:s31], [sflag:$0x2], $0x40, $0x38;
	[tilespmem:$0x1AC00] =	vst v63  }
0x6c: {  	s7 =	smov.u32 s0;
	s31 =	smov.u32 s6;
	p0 =	sne.s32 s0, $0xC78  }
.Ltmp1:
0x6d: {  	s0 =	sadd.s32 $0x8, s0;
	(pc) =	sbr.rel @p0 .LBB2_5-.Ltmp1, $2  }
0x6e: {  	_ =	sdelay $0x2  }
0x6f: {  	s6 =	sadd.s32 $0x80, s6;
	s7 =	sadd.s32 s7, s1  }
0x70: {  	[hbm4b:s7+s3] =	stream.linear.scatter [tilespmem:s31], [sflag:$0x2], $0x40, $0x38;
	[tilespmem:$0x1AC00] =	vst v63  }
0x71: {  	s28 =	sadd.s32 $0x1, s28  }
0x72: {  	_ =	swait.ge [sflag:s25], $0x6400;
	p0 =	sne.s32 s28, $0x8  }
.Ltmp2:
0x73: {  	[sflag:s25] =	ssyncset.done $0x0;
	(pc) =	sbr.rel @p0 .LBB2_2-.Ltmp2, $4  }
0x74: {  	[sflag:s25] =	ssyncadd.s32 $0xFFFF9C00  }
0x75: {  	_ =	swait.ge [sflag:s25], $0x6400  }
0x76: {  	[sflag:s25] =	ssyncset.done $0x0  }
0x77: {  	[sflag:s25] =	ssyncadd.s32 $0xFFFF9C00  }
0x78: {  	s26 =	sadd.s32 $0x1, s26;
	s0 =	rddreg [dreg:$0x4]  }
0x79: {  	p0 =	sne.s32 s26, s0  }
.Ltmp3:
0x7a: {  	_ = 	snop;
	(pc) =	sbr.rel @p0 .LBB2_1-.Ltmp3, $1  }
0x7b: {  	_ =	sdelay $0x3  }
0x7c: {  	_ =	sfence.sel $0x180000  }
0x7d: {  	[bflag:$0x0] =	sbarrier.arrive $0xFFFF  }
0x7e: {  	_ =	strace $0x90000047  }
0x7f: {  	s0 =	stileid.u32;
	[bflag:$0x2] =	sbarrier.arrive $0xFFFF  }
0x80: {  	p0 =	sne.s32 s0, $0x0;
	s0 =	rddreg [dreg:$0x2]  }
0x81: {  	s0 =	sadd.s32 @!p0 $0x100000, s0  }
0x82: {  	[sflag:s0] =	ssyncadd.tile.s32 @!p0 $0x1;
	_ =	shalt  }
.Lfunc_end2:
_tile_overlayer_lowered:
.L_overlay_start_2:
0x83: {  	(tag) =	ssettag $0x2  }
0x84: {  	s0 =	rddreg [dreg:$0x0];
	s2 =	stileid.u32  }
0x85: {  	s1 =	rddreg [dreg:$0x1];
	p0 =	sne.s32 s2, $0x0  }
0x86: {  	s3 =	rddreg [dreg:$0x2];
	[bflag:$0x3] =	sbarrier.arrive $0xFFFF;
	s2 =	simm.s32 @!p0 $0x1C03  }
0x87: {  	[timem:s3], [sflag:s2] =	dma.local @!p0 [hbm:s0], s1  }
0x88: {  	s0 =	simm.s32 @!p0 $0x3  }
0x89: {  	_ =	swait.ge @!p0 [sflag:s0], s1  }
0x8a: {  	s1 =	ssub.s32 @!p0 $0x0, s1;
	[sflag:s0] =	ssyncset.done @!p0 $0x0  }
0x8b: {  	[sflag:s0] =	ssyncadd.s32 @!p0 s1  }
0x8c: {  	[bflag:$0x3] =	sbarrier.arrive $0xFFFF  }
0x8d: {  	_ =	shalt  }

// kernel: sparse-core-data-format-call.cloned.1.call-start
scs
called_computation_lowered:
.L_overlay_start_0:
0x0: {  	s2 =	sld [smem:$0x3FD9]  }
0x1: {  	s3 =	sld [smem:$0x3FFE];
	_ =	sdelay $0x1  }
0x2: {  	s1 =	srdreg.scid  }
0x3: {  	s0 =	sand.u32 $0x1, s1  }
0x4: {  	s18 =	sshll.u32 s0, $0xA;
	s2 =	sadd.s32 s3, s2  }
0x5: {  	s2 =	sadd.s32 s2, s18  }
0x6: {  	[smem:$0x3FC6] =	sst s2  }
0x7: {  	_ = 	snop  }
0x8: {  	s2 =	sld [smem:$0x3FD0];
	(tm) =	ssettm $0x1  }
0x9: {  	s19 =	sld [smem:$0x3FFB];
	_ =	sdelay $0x3  }
0xa: {  	_ =	strace s19  }
0xb: {  	s3 =	sld [smem:$0x3FFC];
	_ =	sdelay $0x3  }
0xc: {  	_ =	strace s3  }
0xd: {  	s3 =	sld [smem:$0x3FFD];
	_ =	sdelay $0x3  }
0xe: {  	_ =	strace s3  }
0xf: {  	_ =	strace $0x8FFFFFFF  }
0x10: {  	s20 =	sld [smem:$0x3FDB];
	_ =	sdelay $0x1  }
0x11: {  	s4 =	simm.s32 $_scs_section_size  }
0x12: {  	s5 =	simm.s32 $_size__tile_overlayer_lowered;
	s6 =	simm.s32 $_tile_overlayer_lowered  }
0x13: {  	s23 =	simm.s32 $0x1BFF;
	s22 =	sshll.u32 s6, $0x1;
	s3 =	sadd.s32 s4, s20  }
0x14: {  	s7 =	simm.s32 $0x0;
	s21 =	sshll.u32 s5, $0x1;
	s5 =	sadd.s32 s22, s3  }
0x15: {  	[timem:s7], [sflag:s23] =	dma.local [hbm:s5], s21  }
0x16: {  	_ =	swait.ge [sflag:s23], s21  }
0x17: {  	s4 =	ssub.s32 $0x0, s21;
	[sflag:s23] =	ssyncset.done $0x0  }
0x18: {  	[sflag:s23] =	ssyncadd.s32 s4;
	_ =	sdelay $0x1  }
0x19: {  	s24 =	simm.s32 $0x1B8B  }
0x1a: {  	_ =	swait.ge [sflag:s24], $0x1  }
0x1b: {  	[sflag:s24] =	ssyncset.done $0x0  }
0x1c: {  	s26 =	simm.s32 $0x1B8E;
	s25 =	sld [smem:$0x3FFE];
	[sflag:s24] =	ssyncadd.s32 $0xFFFFFFFF  }
0x1d: {  	s27 =	simm.s32 $execute0_lowered;
	[smem:$0x3FD2] =	sst s26  }
0x1e: {  	s5 =	sshll.u32 s27, $0x1;
	_ =	strace $0x80000049;
	[dreg:$0x1] =	wrdreg $0xFFFFFFFF  }
0x1f: {  	s28 =	simm.s32 $_size_execute0_lowered;
	s3 =	sadd.s32 s3, s5;
	[dreg:$0x0] =	wrdreg $0x0  }
0x20: {  	s5 =	sshll.u32 s28, $0x1;
	[dreg:$0x2] =	wrdreg s3  }
0x21: {  	[dreg:$0x3] =	wrdreg s5  }
0x22: {  	[dreg:$0x4] =	wrdreg $0xC0  }
0x23: {  	_ =	task [dreg:s7], $0x5FFFF  }
0x24: {  	[dreg:$0x1] =	wrdreg $0xFFFFFFFF  }
0x25: {  	[dreg:$0x0] =	wrdreg $0x60  }
0x26: {  	[dreg:$0x2] =	wrdreg s25  }
0x27: {  	[dreg:$0x3] =	wrdreg s2  }
0x28: {  	[dreg:$0x4] =	wrdreg $0x9  }
0x29: {  	_ =	task.clear_ibuf [dreg:s7], $0x5FFFF;
	_ =	strace $0x90000049  }
0x2a: {  	s29 =	simm.s32 $0x9;
	_ =	strace $0x8000004B  }
0x2b: {  	_ =	swait.ge [sflag:s29], $0x1  }
0x2c: {  	[sflag:s29] =	ssyncadd.s32 $0xFFFFFFFF  }
0x2d: {  	_ =	strace $0x9000004B  }
0x2e: {  	_ =	sfence  }
0x2f: {  	s30 =	sld [smem:$0x0];
	_ =	sdelay $0x2  }
0x30: {  	s31 =	sshll.u32 s1, $0xD;
	s1 =	sshrl.u32 s1, $0x2  }
0x31: {  	s3 =	sand.u32 $0x4000, s31;
	s1 =	sadd.s32 s1, s30  }
0x32: {  	s0 =	sor.u32 s3, s0;
	s1 =	sshll.u32 s1, $0x11  }
0x33: {  	s0 =	sor.u32 s1, s0  }
0x34: {  	s0 =	sadd.s32 $0x8F2B, s0  }
0x35: {  	[sflag:s0] =	ssyncadd.remote.s32 $0x1  }
0x36: {  	_ =	sfence.sel $0xFFFF  }
0x37: {  	[dreg:$0x0] =	wrdreg $0xFFFFFFFF;
	(pc) =	sbr.abs _section_cstart, $3  }
0x38: {  	[dreg:$0x1] =	wrdreg $0xFFFFFFFF  }
0x39: {  	_ =	task.clear_ibuf [dreg:s7], $0x2FFFF;
	_ =	strace $0x9FFFFFFF  }
0x3a: {  	(tm) =	ssettm $0x7FFFFFFF  }
0x3b: {  	_ =	shalt  }
tec
execute0_lowered:
.L_overlay_start_1:
0x0: {  	(tag) =	ssettag $0x1  }
0x1: {  	s0 =	srdreg.scid  }
0x2: {  	s1 =	sshll.u32 s0, $0x4  }
0x3: {  	s0 =	stileid.u32;
	s1 =	sand.u32 $0x10, s1  }
0x4: {  	s1 =	sor.u32 s0, s1  }
0x5: {  	s6 =	rddreg [dreg:$0x0];
	s4 =	simm.s32 $0x1;
	s2 =	sshll.u32 s1, $0x7  }
0x6: {  	s7 =	simm.s32 $0x2;
	s12 =	simm.s32 $0x0;
	s1 =	ssub.s32 $0x1000, s2  }
0x7: {  	s8 =	simm.s32 $0x8000;
	s13 =	simm.s32 $0x0;
	s3 =	sand.u32 $0xF80, s1  }
0x8: {  	s9 =	simm.s32 $0x0;
	s5 =	sshrl.u32 s1, $0xC;
	p0 =	sne.s32 s3, $0x0  }
.Ltmp0:
0x9: {  	s1 =	rddreg [dreg:$0x2];
	s4 =	simm.s32 @!p0 $0x0;
	(pc) =	sbr.rel .LBB1_1-.Ltmp0, $4  }
0xa: {  	s11 =	simm.s32 $0x0;
	s3 =	rddreg [dreg:$0x1];
	s5 =	sadd.s32 s4, s5  }
0xb: {  	_ =	strace $0x8000004A;
	s4 =	simm.s32 $0x1;
	s5 =	smul.u32 $0x32, s5  }
0xc: {  	s6 =	sadd.s32 $0x800, s6;
	s10 =	smov.u32 s2;
	[sflag:s4] =	ssyncpa.u1 $0x0  }
0xd: {  	p0 =	por $0x0, $0x0;
	[sflag:s7] =	ssyncpa.u1 $0x0;
	s7 =	sor.u32 $0x1, s5  }
.LBB1_4:
0xe: {  	s16 =	sshll.u32 s13, $0x3;
	s17 =	sand.u32 $0x78, s13  }
0xf: {  	s30 =	sand.u32 $0x7E00, s13;
	s12 =	sshll.u32 s12, $0xF;
	s16 =	sand.u32 $0xC00, s16  }
0x10: {  	[tilespmem:s15+$0x810 ss:$0x81] =	vst.msk $0xffff, v2;
	s31 =	sand.u32 $0x7, s13;
	s16 =	sor.u32 s17, s16;
	s17 =	sadd.s32 s3, s30  }
0x11: {  	[tilespmem:s15+$0x1020 ss:$0x81] =	vst.msk $0xffff, v0;
	s13 =	sshll.u32 s31, $0x12;
	s12 =	sadd.s32 s12, s17;
	s16 =	sshrl.u32 s16, $0x3  }
0x12: {  	[tilespmem:s15+$0x0 ss:$0x81] =	vst.msk $0xffff, v1;
	s13 =	sor.u32 $0x400, s13;
	s12 =	sadd.s32 s16, s12  }
0x13: {  	[hbm4b:s12+s13] =	stream.strided.scatter [tilespmem:s14], [sflag:$0x2], $0x2000, s8, s13, $0x20;
	[tilespmem:$0x8080] =	vst v63  }
.LBB1_5:
0x14: {  	s14 =	sadd.s32 $0x1, s9  }
0x15: {  	s12 =	sadd.s32 $0x1000, s10;
	s16 =	smov.u32 s10;
	p2 =	sgt.s32 s14, $0x31  }
0x16: {  	s16 =	smov.u32 @p2 s12  }
0x17: {  	s14 =	simm.s32 @p2 $0x0;
	p2 =	sgt.s32 s16, $0xFFF  }
0x18: {  	s16 =	smov.u32 @p2 s2;
	p2 =	sne.s32 s11, s7  }
.Ltmp1:
0x19: {  	p1 =	slt.u32 s11, $0x2;
	(pc) =	sbr.rel @!p2 .LBB1_6-.Ltmp1, $4  }
0x1a: {  	s15 =	simm.s32 @!p1 $0x2  }
0x1b: {  	s13 =	smov.u32 s10;
	p0 =	por !p0, !p0;
	_ =	swait.ge @!p1 [sflag:s15], $0x2000  }
0x1c: {  	s12 =	smov.u32 s9;
	[sflag:s15] =	ssyncset.done @!p1 $0x0;
	s9 =	smov.u32 s14  }
0x1d: {  	s11 =	sadd.s32 $0x1, s11;
	[sflag:s15] =	ssyncadd.s32 @!p1 $0xFFFFE000;
	s10 =	smov.u32 s16  }
.LBB1_1:
0x1e: {  	p1 =	sge.u32 s11, s5  }
0x1f: {  	s14 =	sand.u32 @!p1 $0x1FFFFFF, s9  }
0x20: {  	s15 =	smulhi.u32 @!p1 $0x4924925, s14;
	_ =	sdelay $0x1  }
0x21: {  	s15 =	smul.u32 @!p1 $0x38, s15  }
0x22: {  	s16 =	sxor.u32 @!p1 $0xFFFFFFFF, s11;
	s17 =	smul.u32 @!p1 $0x380, s10  }
0x23: {  	s31 =	sadd.s32 $0xFFFFFFFF, s11;
	s16 =	sshll.u32 @!p1 s16, $0xD;
	s14 =	ssub.s32 @!p1 s14, s15  }
0x24: {  	s15 =	sand.u32 @!p1 $0x2000, s16;
	s16 =	sadd.s32 @!p1 s6, s17;
	s14 =	sshll.u32 @!p1 s14, $0x4  }
0x25: {  	s17 =	simm.s32 @!p1 $0x1C00;
	s14 =	sadd.s32 @!p1 s14, s16;
	s16 =	simm.s32 @!p1 $0x40  }
0x26: {  	[tilespmem:s15], [sflag:$0x1] =	stream.strided.gather @!p1 [hbm4b:s14+s16], $0x2000, s17, s16, $0x38;
	[tilespmem:$0x8080] =	vst v63  }
0x27: {  	p1 =	sge.u32 s31, s5  }
.Ltmp2:
0x28: {  	_ = 	snop;
	(pc) =	sbr.rel @p1 .LBB1_5-.Ltmp2, $1  }
0x29: {  	_ =	sdelay $0x3  }
0x2a: {  	s14 =	simm.s32 $0x1  }
0x2b: {  	_ =	swait.ge [sflag:s4], $0x2000;
	s14 =	simm.s32 @!p0 $0x0  }
0x2c: {  	[sflag:s4] =	ssyncset.done $0x0;
	s15 =	sshll.u32 s14, $0xD  }
0x2d: {  	[sflag:s4] =	ssyncadd.s32 $0xFFFFE000;
	s18 =	sor.u32 $0x20, s15  }
0x2e: {  	s14 =	smul.u32 $0x8100, s14;
	v3 =	vld [tilespmem:s18+$0x10]  }
0x2f: {  	s30 =	sand.u32 $0x1, s11;
	v2 =	vld [tilespmem:s18+$0xFFFFFFF0]  }
0x30: {  	s15 =	smul.u32 $0x8100, s30;
	s14 =	sshrl.u32 s14, $0x2;
	v0 =	vld [tilespmem:s18+$0x0]  }
0x31: {  	v1 =	vld [tilespmem:s18+$0xFFFFFFE0];
	s16 =	sor.u32 $0x4000, s14  }
0x32: {  	s31 =	sshrl.u32 s15, $0x2;
	s15 =	sadd.s32 $0x0, s16  }
0x33: {  	s17 =	simm.s32 $0x4;
	s18 =	sadd.s32 $0x40, s18;
	s14 =	sor.u32 $0x4000, s31;
	[tilespmem:s15+$0x1830 ss:$0x81] =	vst.msk $0xffff, v3  }
.LBB1_3:
0x34: {  	v3 =	vld [tilespmem:s18+$0x10];
	p1 =	sne.s32 s17, $0x1FC;
	[tilespmem:s15+$0x810 ss:$0x81] =	vst.msk $0xffff, v2;
	s19 =	smov.u32 s17;
	s17 =	sadd.s32 $0x4, s17  }
.Ltmp3:
0x35: {  	v2 =	vld [tilespmem:s18+$0xFFFFFFF0];
	[tilespmem:s15+$0x1020 ss:$0x81] =	vst.msk $0xffff, v0;
	(pc) =	sbr.rel @p1 .LBB1_3-.Ltmp3, $4  }
0x36: {  	v0 =	vld [tilespmem:s18+$0x0];
	[tilespmem:s15+$0x0 ss:$0x81] =	vst.msk $0xffff, v1  }
0x37: {  	s15 =	sshra.s32 s19, $0x2;
	v1 =	vld [tilespmem:s18+$0xFFFFFFE0]  }
0x38: {  	s15 =	sadd.s32 s15, s16  }
0x39: {  	s18 =	sadd.s32 $0x40, s18;
	[tilespmem:s15+$0x1830 ss:$0x81] =	vst.msk $0xffff, v3  }
.Ltmp4:
0x3a: {  	_ = 	snop;
	(pc) =	sbr.rel .LBB1_4-.Ltmp4, $1  }
0x3b: {  	_ =	sdelay $0x3  }
.LBB1_6:
0x3c: {  	_ =	sfence.sel $0x180000  }
0x3d: {  	s2 =	simm.s32 $0x1;
	[bflag:$0x0] =	sbarrier.arrive $0xFFFF  }
0x3e: {  	s31 =	simm.s32 $0x2;
	[sflag:s2] =	ssyncpa.u1 $0x1  }
0x3f: {  	[sflag:s31] =	ssyncpa.u1 $0x1  }
0x40: {  	p0 =	sne.s32 s0, $0x0;
	_ =	strace $0x9000004A  }
0x41: {  	s0 =	sadd.s32 @!p0 $0x100000, s1;
	[bflag:$0x2] =	sbarrier.arrive $0xFFFF  }
0x42: {  	[sflag:s0] =	ssyncadd.tile.s32 @!p0 $0x1;
	_ =	shalt  }
.Lfunc_end1:
_tile_overlayer_lowered:
.L_overlay_start_2:
0x43: {  	(tag) =	ssettag $0x2  }
0x44: {  	s0 =	rddreg [dreg:$0x0];
	s2 =	stileid.u32  }
0x45: {  	s1 =	rddreg [dreg:$0x1];
	p0 =	sne.s32 s2, $0x0  }
0x46: {  	s3 =	rddreg [dreg:$0x2];
	[bflag:$0x3] =	sbarrier.arrive $0xFFFF;
	s2 =	simm.s32 @!p0 $0x1C01  }
0x47: {  	[timem:s3], [sflag:s2] =	dma.local @!p0 [hbm:s0], s1  }
0x48: {  	s0 =	simm.s32 @!p0 $0x1  }
0x49: {  	_ =	swait.ge @!p0 [sflag:s0], s1  }
0x4a: {  	s1 =	ssub.s32 @!p0 $0x0, s1;
	[sflag:s0] =	ssyncset.done @!p0 $0x0  }
0x4b: {  	[sflag:s0] =	ssyncadd.s32 @!p0 s1  }
0x4c: {  	[bflag:$0x3] =	sbarrier.arrive $0xFFFF  }
0x4d: {  	_ =	shalt  }

</sc_bundles>
